<compile_context>
chip_gen: v7x
topology: tpu7x:2x2x1
jax: 0.10.2.dev20260603
libtpu: 0.0.44.dev20260713+nightly
codegen_flags: <defaults>
</compile_context>

<pallas_src>
import functools

import jax
import jax.numpy as jnp
from jax import lax
from jax.experimental import pallas as pl
from jax.experimental.pallas import tpu as pltpu
from jax.experimental.pallas import tpu_sc as plsc

B = 16384
DG = 16
DM = 64

NC = 2
NS = 16
NW = NC * NS
BPW = B // NW
CHUNK = 128
NCHUNK = BPW // CHUNK


def _linearize(t, dtype):
  n, d = t.shape
  t = t.astype(dtype)
  t = jax.lax.optimization_barrier(t.reshape(n * d // 128, 128))
  return t.reshape(n, d)


def _sc_gather_body(uid_hbm, iid_hbm, eug_hbm, eig_hbm, eum_hbm, eim_hbm,
                    ug_out, ig_out, um_out, im_out,
                    uidx_v, iidx_v, ug_v, ig_v, um_v, im_v, sem):
  wid = lax.axis_index("s") * NC + lax.axis_index("c")
  base = wid * BPW
  pltpu.sync_copy(uid_hbm.at[pl.ds(wid * NCHUNK, NCHUNK), :], uidx_v)
  pltpu.sync_copy(iid_hbm.at[pl.ds(wid * NCHUNK, NCHUNK), :], iidx_v)
  copies = []
  for j in range(NCHUNK):
    sl = pl.ds(j * CHUNK, CHUNK)
    copies.append(pltpu.async_copy(eug_hbm.at[uidx_v.at[j]], ug_v.at[sl, :], sem))
    copies.append(pltpu.async_copy(eig_hbm.at[iidx_v.at[j]], ig_v.at[sl, :], sem))
    copies.append(pltpu.async_copy(eum_hbm.at[uidx_v.at[j]], um_v.at[sl, :], sem))
    copies.append(pltpu.async_copy(eim_hbm.at[iidx_v.at[j]], im_v.at[sl, :], sem))
  for c in copies:
    c.wait()
  pltpu.sync_copy(ug_v, ug_out.at[pl.ds(base, BPW), :])
  pltpu.sync_copy(ig_v, ig_out.at[pl.ds(base, BPW), :])
  pltpu.sync_copy(um_v, um_out.at[pl.ds(base, BPW), :])
  pltpu.sync_copy(im_v, im_out.at[pl.ds(base, BPW), :])


_sc_gather = functools.partial(
    pl.kernel,
    out_type=[
        jax.ShapeDtypeStruct((B, DG), jnp.float32),
        jax.ShapeDtypeStruct((B, DG), jnp.float32),
        jax.ShapeDtypeStruct((B, DM), jnp.float32),
        jax.ShapeDtypeStruct((B, DM), jnp.float32),
    ],
    mesh=plsc.VectorSubcoreMesh(core_axis_name="c", subcore_axis_name="s"),
    scratch_types=[
        pltpu.VMEM((NCHUNK, CHUNK), jnp.int32),
        pltpu.VMEM((NCHUNK, CHUNK), jnp.int32),
        pltpu.VMEM((BPW, DG), jnp.float32),
        pltpu.VMEM((BPW, DG), jnp.float32),
        pltpu.VMEM((BPW, DM), jnp.float32),
        pltpu.VMEM((BPW, DM), jnp.float32),
        pltpu.SemaphoreType.DMA,
    ],
    compiler_params=pltpu.CompilerParams(use_tc_tiling_on_sc=False),
)(_sc_gather_body)


TC_BLK = 1024


def _tc_mlp_body(ug_ref, ig_ref, um_ref, im_ref,
                 w0_ref, b0_ref, w1_ref, b1_ref, w2_ref, b2_ref,
                 wf_ref, bf_ref, out_ref):
  w0 = w0_ref[...]
  um = um_ref[...].astype(jnp.float32)
  im = im_ref[...].astype(jnp.float32)
  h = jnp.dot(um, w0[:DM], preferred_element_type=jnp.float32)
  h += jnp.dot(im, w0[DM:], preferred_element_type=jnp.float32)
  h = jnp.maximum(h + b0_ref[...], 0.0)
  h = jnp.maximum(
      jnp.dot(h, w1_ref[...], preferred_element_type=jnp.float32) + b1_ref[...], 0.0)
  h = jnp.maximum(
      jnp.dot(h, w2_ref[...], preferred_element_type=jnp.float32) + b2_ref[...], 0.0)
  g = ug_ref[...] * ig_ref[...]
  wf = wf_ref[...]
  res = jnp.dot(g, wf[:DG], preferred_element_type=jnp.float32)
  res += jnp.dot(h, wf[DG:], preferred_element_type=jnp.float32)
  out_ref[...] = res + bf_ref[...]


def _tc_mlp(ug, ig, um, im, W0, b0, W1, b1, W2, b2, Wf, bf):
  nblk = B // TC_BLK
  row_spec = lambda d: pl.BlockSpec((TC_BLK, d), lambda i: (i, 0))
  full_spec = lambda s: pl.BlockSpec(s, lambda i: tuple(0 for _ in s))
  return pl.pallas_call(
      _tc_mlp_body,
      grid=(nblk,),
      in_specs=[
          row_spec(DG), row_spec(DG), row_spec(DM), row_spec(DM),
          full_spec((2 * DM, DM)), full_spec((1, DM)),
          full_spec((DM, DM // 2)), full_spec((1, DM // 2)),
          full_spec((DM // 2, DM // 4)), full_spec((1, DM // 4)),
          full_spec((2 * DG, 1)), full_spec((1, 1)),
      ],
      out_specs=pl.BlockSpec((TC_BLK, 1), lambda i: (i, 0)),
      out_shape=jax.ShapeDtypeStruct((B, 1), jnp.float32),
  )(ug, ig, um, im, W0, b0.reshape(1, DM), W1, b1.reshape(1, DM // 2),
    W2, b2.reshape(1, DM // 4), Wf, bf.reshape(1, 1))


@jax.jit
def kernel(x, eu_gmf, ei_gmf, eu_mlp, ei_mlp, W0, b0, W1, b1, W2, b2, Wf, bf):
  uid = x[:, 0].reshape(B // CHUNK, CHUNK)
  iid = x[:, 1].reshape(B // CHUNK, CHUNK)
  eu_gmf = _linearize(eu_gmf, jnp.float32)
  ei_gmf = _linearize(ei_gmf, jnp.float32)
  eu_mlp = _linearize(eu_mlp, jnp.float32)
  ei_mlp = _linearize(ei_mlp, jnp.float32)
  ug, ig, um, im = _sc_gather(uid, iid, eu_gmf, ei_gmf, eu_mlp, ei_mlp)
  out = _tc_mlp(ug, ig, um, im, W0, b0, W1, b1, W2, b2, Wf, bf)
  return out.reshape(-1)

# --- scband reference (transcript-rebuilt; emitter-appended) ---
"""Pipeline reference for scband-neu-mf-71683004171137 (READ-ONLY COPY).

The authoritative reference and input builder live on the scoring server;
editing this copy changes nothing except your own understanding.
"""

import jax, jax.numpy as jnp
import numpy as np

B = 16384
U = 1000000
I = 1000000
DG = 16        # gmf embedding size
DM = 64        # mlp embedding size = 16 * 2**(3-1)


def setup_inputs(seed: int = 0) -> dict:
    key = jax.random.key(seed)
    ks = jax.random.split(key, 16)
    x = jax.random.randint(ks[0], (B, 2), 0, U, dtype=jnp.int32)
    eu_gmf = 0.1 * jax.random.normal(ks[1], (U, DG), dtype=jnp.float32)
    ei_gmf = 0.1 * jax.random.normal(ks[2], (I, DG), dtype=jnp.float32)
    eu_mlp = 0.1 * jax.random.normal(ks[3], (U, DM), dtype=jnp.float32)
    ei_mlp = 0.1 * jax.random.normal(ks[4], (I, DM), dtype=jnp.float32)
    # MLP: 128 -> 64 -> 32 -> 16 (weights stored [in, out])
    def lin(k, fan_in, fan_out):
        bound = 1.0 / np.sqrt(fan_in)
        kw, kb = jax.random.split(k)
        W = jax.random.uniform(kw, (fan_in, fan_out), minval=-bound, maxval=bound, dtype=jnp.float32)
        b = jax.random.uniform(kb, (fan_out,), minval=-bound, maxval=bound, dtype=jnp.float32)
        return W, b
    W0, b0 = lin(ks[5], 2 * DM, DM)
    W1, b1 = lin(ks[6], DM, DM // 2)
    W2, b2 = lin(ks[7], DM // 2, DM // 4)
    Wf, bf = lin(ks[8], 2 * DG, 1)
    return {"x": x, "eu_gmf": eu_gmf, "ei_gmf": ei_gmf, "eu_mlp": eu_mlp, "ei_mlp": ei_mlp,
            "W0": W0, "b0": b0, "W1": W1, "b1": b1, "W2": W2, "b2": b2, "Wf": Wf, "bf": bf}


def reference(x, eu_gmf, ei_gmf, eu_mlp, ei_mlp, W0, b0, W1, b1, W2, b2, Wf, bf):
    user_ids = x[:, 0]
    item_ids = x[:, 1]
    # GMF branch: elementwise product of embeddings
    embed_items_gmf = jnp.take(ei_gmf, item_ids, axis=0)
    embed_users_gmf = jnp.take(eu_gmf, user_ids, axis=0)
    out_gmf = embed_items_gmf * embed_users_gmf
    # MLP branch
    embed_items_mlp = jnp.take(ei_mlp, item_ids, axis=0)
    embed_users_mlp = jnp.take(eu_mlp, user_ids, axis=0)
    out = jnp.concatenate([embed_users_mlp, embed_items_mlp], axis=1).reshape(-1, 2 * DM)
    out = jax.nn.relu(out @ W0 + b0)
    out = jax.nn.relu(out @ W1 + b1)
    out_mlp = jax.nn.relu(out @ W2 + b2)
    # Fusion
    out = jnp.concatenate([out_gmf, out_mlp], axis=-1)
    out = out @ Wf + bf
    return out.reshape(-1)

if __name__ == "__main__":
    import jax
    _d = setup_inputs()
    print(jax.jit(kernel)(*tuple(_d.values())))

</pallas_src>

<mosaic_0001>
#map = affine_map<(d0, d1) -> (0, 0)>
module attributes {stable_mosaic.version = 14 : i64} {
  func.func @_sc_gather_body(%arg0: i32, %arg1: i32, %arg2: memref<128x128xi32, #tpu.memory_space<hbm>>, %arg3: memref<128x128xi32, #tpu.memory_space<hbm>>, %arg4: memref<1000000x16xf32, #tpu.memory_space<hbm>>, %arg5: memref<1000000x16xf32, #tpu.memory_space<hbm>>, %arg6: memref<1000000x64xf32, #tpu.memory_space<hbm>>, %arg7: memref<1000000x64xf32, #tpu.memory_space<hbm>>, %arg8: memref<16384x16xf32, #tpu.memory_space<hbm>>, %arg9: memref<16384x16xf32, #tpu.memory_space<hbm>>, %arg10: memref<16384x64xf32, #tpu.memory_space<hbm>>, %arg11: memref<16384x64xf32, #tpu.memory_space<hbm>>, %arg12: memref<4x128xi32, #tpu.memory_space<vmem>>, %arg13: memref<4x128xi32, #tpu.memory_space<vmem>>, %arg14: memref<512x16xf32, #tpu.memory_space<vmem>>, %arg15: memref<512x16xf32, #tpu.memory_space<vmem>>, %arg16: memref<512x64xf32, #tpu.memory_space<vmem>>, %arg17: memref<512x64xf32, #tpu.memory_space<vmem>>, %arg18: memref<!tpu.dma_semaphore, #tpu.memory_space<semaphore_mem>>) attributes {dimension_semantics = [#tpu.dimension_semantics<core_parallel>, #tpu.dimension_semantics<subcore_parallel>], iteration_bounds = array<i64: 2, 16>, scalar_prefetch = 0 : i64, scratch_operands = 7 : i64, tpu.core_type = #tpu.core_type<sc_vector_subcore>, window_params = [{transform_indices = #map}, {transform_indices = #map}, {transform_indices = #map}, {transform_indices = #map}, {transform_indices = #map}, {transform_indices = #map}, {transform_indices = #map}, {transform_indices = #map}, {transform_indices = #map}, {transform_indices = #map}]} {
    %mul3A = arith.constant 2 : i32
    %mul3A_0 = arith.muli %arg1, %mul3A : i32
    %add3A = arith.addi %mul3A_0, %arg0 : i32
    %mul3A_1 = arith.constant 512 : i32
    %mul3A_2 = arith.muli %add3A, %mul3A_1 : i32
    %mul3A_3 = arith.constant 4 : i32
    %mul3A_4 = arith.muli %add3A, %mul3A_3 : i32
    "tpu.region"() ({
      %run_scoped3A = tpu.sem_alloc : memref<!tpu.dma_semaphore, #tpu.memory_space<semaphore_mem>>
      %dma_start3A_325 = arith.constant 0 : i32
      %dma_start3A_326 = tpu.memref_slice %arg2[%mul3A_4, %dma_start3A_325] : memref<128x128xi32, #tpu.memory_space<hbm>> -> memref<4x128xi32, #tpu.memory_space<hbm>>
      %dma_start3A_327 = arith.constant 0 : i32
      %dma_start3A_328 = tpu.memref_slice %arg2[%mul3A_4, %dma_start3A_327] : memref<128x128xi32, #tpu.memory_space<hbm>> -> memref<4x128xi32, #tpu.memory_space<hbm>>
      tpu.enqueue_dma source(%dma_start3A_328 : memref<4x128xi32, #tpu.memory_space<hbm>>) target(%arg12 : memref<4x128xi32, #tpu.memory_space<vmem>>) target_semaphore(%run_scoped3A : memref<!tpu.dma_semaphore, #tpu.memory_space<semaphore_mem>>)
      %dma_wait3A_329 = arith.constant 0 : i32
      %dma_wait3A_330 = tpu.memref_slice %arg2[%mul3A_4, %dma_wait3A_329] : memref<128x128xi32, #tpu.memory_space<hbm>> -> memref<4x128xi32, #tpu.memory_space<hbm>>
      %dma_wait3A_331 = arith.constant 0 : i32
      %dma_wait3A_332 = tpu.memref_slice %arg2[%mul3A_4, %dma_wait3A_331] : memref<128x128xi32, #tpu.memory_space<hbm>> -> memref<4x128xi32, #tpu.memory_space<hbm>>
      tpu.wait_dma2 semaphore(%run_scoped3A : memref<!tpu.dma_semaphore, #tpu.memory_space<semaphore_mem>>) src(%dma_wait3A_332 : memref<4x128xi32, #tpu.memory_space<hbm>>) dst(%arg12 : memref<4x128xi32, #tpu.memory_space<vmem>>)
      tpu.yield
    }) : () -> ()
    %mul3A_5 = arith.constant 4 : i32
    %mul3A_6 = arith.muli %add3A, %mul3A_5 : i32
    "tpu.region"() ({
      %run_scoped3A = tpu.sem_alloc : memref<!tpu.dma_semaphore, #tpu.memory_space<semaphore_mem>>
      %dma_start3A_325 = arith.constant 0 : i32
      %dma_start3A_326 = tpu.memref_slice %arg3[%mul3A_6, %dma_start3A_325] : memref<128x128xi32, #tpu.memory_space<hbm>> -> memref<4x128xi32, #tpu.memory_space<hbm>>
      %dma_start3A_327 = arith.constant 0 : i32
      %dma_start3A_328 = tpu.memref_slice %arg3[%mul3A_6, %dma_start3A_327] : memref<128x128xi32, #tpu.memory_space<hbm>> -> memref<4x128xi32, #tpu.memory_space<hbm>>
      tpu.enqueue_dma source(%dma_start3A_328 : memref<4x128xi32, #tpu.memory_space<hbm>>) target(%arg13 : memref<4x128xi32, #tpu.memory_space<vmem>>) target_semaphore(%run_scoped3A : memref<!tpu.dma_semaphore, #tpu.memory_space<semaphore_mem>>)
      %dma_wait3A_329 = arith.constant 0 : i32
      %dma_wait3A_330 = tpu.memref_slice %arg3[%mul3A_6, %dma_wait3A_329] : memref<128x128xi32, #tpu.memory_space<hbm>> -> memref<4x128xi32, #tpu.memory_space<hbm>>
      %dma_wait3A_331 = arith.constant 0 : i32
      %dma_wait3A_332 = tpu.memref_slice %arg3[%mul3A_6, %dma_wait3A_331] : memref<128x128xi32, #tpu.memory_space<hbm>> -> memref<4x128xi32, #tpu.memory_space<hbm>>
      tpu.wait_dma2 semaphore(%run_scoped3A : memref<!tpu.dma_semaphore, #tpu.memory_space<semaphore_mem>>) src(%dma_wait3A_332 : memref<4x128xi32, #tpu.memory_space<hbm>>) dst(%arg13 : memref<4x128xi32, #tpu.memory_space<vmem>>)
      tpu.yield
    }) : () -> ()
    %dma_start3A = arith.constant 0 : i32
    %dma_start3A_7 = arith.constant 0 : i32
    %dma_start3A_8 = arith.constant 0 : i32
    %dma_start3A_9 = tpu.memref_slice %arg14[%dma_start3A_7, %dma_start3A_8] : memref<512x16xf32, #tpu.memory_space<vmem>> -> memref<128x16xf32, #tpu.memory_space<vmem>>
    %dma_start3A_10 = arith.constant 0 : i32
    %dma_start3A_11 = tpu.memref_slice %arg12[%dma_start3A, %dma_start3A_10] : memref<4x128xi32, #tpu.memory_space<vmem>> -> memref<1x128xi32, #tpu.memory_space<vmem>>
    %dma_start3A_12 = tpu.memref_squeeze %dma_start3A_11 : memref<1x128xi32, #tpu.memory_space<vmem>> -> memref<128xi32, #tpu.memory_space<vmem>>
    %dma_start3A_13 = arith.constant 0 : i32
    %dma_start3A_14 = arith.constant 0 : i32
    %dma_start3A_15 = tpu.memref_slice %arg4[%dma_start3A_13, %dma_start3A_14] : memref<1000000x16xf32, #tpu.memory_space<hbm>> -> memref<1000000x16xf32, #tpu.memory_space<hbm>>
    tpu.enqueue_indirect_dma source(%dma_start3A_15 : memref<1000000x16xf32, #tpu.memory_space<hbm>>) target(%dma_start3A_9 : memref<128x16xf32, #tpu.memory_space<vmem>>) offsets(%dma_start3A_12 : memref<128xi32, #tpu.memory_space<vmem>>) semaphore(%arg18 : memref<!tpu.dma_semaphore, #tpu.memory_space<semaphore_mem>>)
    %dma_start3A_16 = arith.constant 0 : i32
    %dma_start3A_17 = arith.constant 0 : i32
    %dma_start3A_18 = arith.constant 0 : i32
    %dma_start3A_19 = tpu.memref_slice %arg15[%dma_start3A_17, %dma_start3A_18] : memref<512x16xf32, #tpu.memory_space<vmem>> -> memref<128x16xf32, #tpu.memory_space<vmem>>
    %dma_start3A_20 = arith.constant 0 : i32
    %dma_start3A_21 = tpu.memref_slice %arg13[%dma_start3A_16, %dma_start3A_20] : memref<4x128xi32, #tpu.memory_space<vmem>> -> memref<1x128xi32, #tpu.memory_space<vmem>>
    %dma_start3A_22 = tpu.memref_squeeze %dma_start3A_21 : memref<1x128xi32, #tpu.memory_space<vmem>> -> memref<128xi32, #tpu.memory_space<vmem>>
    %dma_start3A_23 = arith.constant 0 : i32
    %dma_start3A_24 = arith.constant 0 : i32
    %dma_start3A_25 = tpu.memref_slice %arg5[%dma_start3A_23, %dma_start3A_24] : memref<1000000x16xf32, #tpu.memory_space<hbm>> -> memref<1000000x16xf32, #tpu.memory_space<hbm>>
    tpu.enqueue_indirect_dma source(%dma_start3A_25 : memref<1000000x16xf32, #tpu.memory_space<hbm>>) target(%dma_start3A_19 : memref<128x16xf32, #tpu.memory_space<vmem>>) offsets(%dma_start3A_22 : memref<128xi32, #tpu.memory_space<vmem>>) semaphore(%arg18 : memref<!tpu.dma_semaphore, #tpu.memory_space<semaphore_mem>>)
    %dma_start3A_26 = arith.constant 0 : i32
    %dma_start3A_27 = arith.constant 0 : i32
    %dma_start3A_28 = arith.constant 0 : i32
    %dma_start3A_29 = tpu.memref_slice %arg16[%dma_start3A_27, %dma_start3A_28] : memref<512x64xf32, #tpu.memory_space<vmem>> -> memref<128x64xf32, #tpu.memory_space<vmem>>
    %dma_start3A_30 = arith.constant 0 : i32
    %dma_start3A_31 = tpu.memref_slice %arg12[%dma_start3A_26, %dma_start3A_30] : memref<4x128xi32, #tpu.memory_space<vmem>> -> memref<1x128xi32, #tpu.memory_space<vmem>>
    %dma_start3A_32 = tpu.memref_squeeze %dma_start3A_31 : memref<1x128xi32, #tpu.memory_space<vmem>> -> memref<128xi32, #tpu.memory_space<vmem>>
    %dma_start3A_33 = arith.constant 0 : i32
    %dma_start3A_34 = arith.constant 0 : i32
    %dma_start3A_35 = tpu.memref_slice %arg6[%dma_start3A_33, %dma_start3A_34] : memref<1000000x64xf32, #tpu.memory_space<hbm>> -> memref<1000000x64xf32, #tpu.memory_space<hbm>>
    tpu.enqueue_indirect_dma source(%dma_start3A_35 : memref<1000000x64xf32, #tpu.memory_space<hbm>>) target(%dma_start3A_29 : memref<128x64xf32, #tpu.memory_space<vmem>>) offsets(%dma_start3A_32 : memref<128xi32, #tpu.memory_space<vmem>>) semaphore(%arg18 : memref<!tpu.dma_semaphore, #tpu.memory_space<semaphore_mem>>)
    %dma_start3A_36 = arith.constant 0 : i32
    %dma_start3A_37 = arith.constant 0 : i32
    %dma_start3A_38 = arith.constant 0 : i32
    %dma_start3A_39 = tpu.memref_slice %arg17[%dma_start3A_37, %dma_start3A_38] : memref<512x64xf32, #tpu.memory_space<vmem>> -> memref<128x64xf32, #tpu.memory_space<vmem>>
    %dma_start3A_40 = arith.constant 0 : i32
    %dma_start3A_41 = tpu.memref_slice %arg13[%dma_start3A_36, %dma_start3A_40] : memref<4x128xi32, #tpu.memory_space<vmem>> -> memref<1x128xi32, #tpu.memory_space<vmem>>
    %dma_start3A_42 = tpu.memref_squeeze %dma_start3A_41 : memref<1x128xi32, #tpu.memory_space<vmem>> -> memref<128xi32, #tpu.memory_space<vmem>>
    %dma_start3A_43 = arith.constant 0 : i32
    %dma_start3A_44 = arith.constant 0 : i32
    %dma_start3A_45 = tpu.memref_slice %arg7[%dma_start3A_43, %dma_start3A_44] : memref<1000000x64xf32, #tpu.memory_space<hbm>> -> memref<1000000x64xf32, #tpu.memory_space<hbm>>
    tpu.enqueue_indirect_dma source(%dma_start3A_45 : memref<1000000x64xf32, #tpu.memory_space<hbm>>) target(%dma_start3A_39 : memref<128x64xf32, #tpu.memory_space<vmem>>) offsets(%dma_start3A_42 : memref<128xi32, #tpu.memory_space<vmem>>) semaphore(%arg18 : memref<!tpu.dma_semaphore, #tpu.memory_space<semaphore_mem>>)
    %dma_start3A_46 = arith.constant 1 : i32
    %dma_start3A_47 = arith.constant 128 : i32
    %dma_start3A_48 = arith.constant 0 : i32
    %dma_start3A_49 = tpu.memref_slice %arg14[%dma_start3A_47, %dma_start3A_48] : memref<512x16xf32, #tpu.memory_space<vmem>> -> memref<128x16xf32, #tpu.memory_space<vmem>>
    %dma_start3A_50 = arith.constant 0 : i32
    %dma_start3A_51 = tpu.memref_slice %arg12[%dma_start3A_46, %dma_start3A_50] : memref<4x128xi32, #tpu.memory_space<vmem>> -> memref<1x128xi32, #tpu.memory_space<vmem>>
    %dma_start3A_52 = tpu.memref_squeeze %dma_start3A_51 : memref<1x128xi32, #tpu.memory_space<vmem>> -> memref<128xi32, #tpu.memory_space<vmem>>
    %dma_start3A_53 = arith.constant 0 : i32
    %dma_start3A_54 = arith.constant 0 : i32
    %dma_start3A_55 = tpu.memref_slice %arg4[%dma_start3A_53, %dma_start3A_54] : memref<1000000x16xf32, #tpu.memory_space<hbm>> -> memref<1000000x16xf32, #tpu.memory_space<hbm>>
    tpu.enqueue_indirect_dma source(%dma_start3A_55 : memref<1000000x16xf32, #tpu.memory_space<hbm>>) target(%dma_start3A_49 : memref<128x16xf32, #tpu.memory_space<vmem>>) offsets(%dma_start3A_52 : memref<128xi32, #tpu.memory_space<vmem>>) semaphore(%arg18 : memref<!tpu.dma_semaphore, #tpu.memory_space<semaphore_mem>>)
    %dma_start3A_56 = arith.constant 1 : i32
    %dma_start3A_57 = arith.constant 128 : i32
    %dma_start3A_58 = arith.constant 0 : i32
    %dma_start3A_59 = tpu.memref_slice %arg15[%dma_start3A_57, %dma_start3A_58] : memref<512x16xf32, #tpu.memory_space<vmem>> -> memref<128x16xf32, #tpu.memory_space<vmem>>
    %dma_start3A_60 = arith.constant 0 : i32
    %dma_start3A_61 = tpu.memref_slice %arg13[%dma_start3A_56, %dma_start3A_60] : memref<4x128xi32, #tpu.memory_space<vmem>> -> memref<1x128xi32, #tpu.memory_space<vmem>>
    %dma_start3A_62 = tpu.memref_squeeze %dma_start3A_61 : memref<1x128xi32, #tpu.memory_space<vmem>> -> memref<128xi32, #tpu.memory_space<vmem>>
    %dma_start3A_63 = arith.constant 0 : i32
    %dma_start3A_64 = arith.constant 0 : i32
    %dma_start3A_65 = tpu.memref_slice %arg5[%dma_start3A_63, %dma_start3A_64] : memref<1000000x16xf32, #tpu.memory_space<hbm>> -> memref<1000000x16xf32, #tpu.memory_space<hbm>>
    tpu.enqueue_indirect_dma source(%dma_start3A_65 : memref<1000000x16xf32, #tpu.memory_space<hbm>>) target(%dma_start3A_59 : memref<128x16xf32, #tpu.memory_space<vmem>>) offsets(%dma_start3A_62 : memref<128xi32, #tpu.memory_space<vmem>>) semaphore(%arg18 : memref<!tpu.dma_semaphore, #tpu.memory_space<semaphore_mem>>)
    %dma_start3A_66 = arith.constant 1 : i32
    %dma_start3A_67 = arith.constant 128 : i32
    %dma_start3A_68 = arith.constant 0 : i32
    %dma_start3A_69 = tpu.memref_slice %arg16[%dma_start3A_67, %dma_start3A_68] : memref<512x64xf32, #tpu.memory_space<vmem>> -> memref<128x64xf32, #tpu.memory_space<vmem>>
    %dma_start3A_70 = arith.constant 0 : i32
    %dma_start3A_71 = tpu.memref_slice %arg12[%dma_start3A_66, %dma_start3A_70] : memref<4x128xi32, #tpu.memory_space<vmem>> -> memref<1x128xi32, #tpu.memory_space<vmem>>
    %dma_start3A_72 = tpu.memref_squeeze %dma_start3A_71 : memref<1x128xi32, #tpu.memory_space<vmem>> -> memref<128xi32, #tpu.memory_space<vmem>>
    %dma_start3A_73 = arith.constant 0 : i32
    %dma_start3A_74 = arith.constant 0 : i32
    %dma_start3A_75 = tpu.memref_slice %arg6[%dma_start3A_73, %dma_start3A_74] : memref<1000000x64xf32, #tpu.memory_space<hbm>> -> memref<1000000x64xf32, #tpu.memory_space<hbm>>
    tpu.enqueue_indirect_dma source(%dma_start3A_75 : memref<1000000x64xf32, #tpu.memory_space<hbm>>) target(%dma_start3A_69 : memref<128x64xf32, #tpu.memory_space<vmem>>) offsets(%dma_start3A_72 : memref<128xi32, #tpu.memory_space<vmem>>) semaphore(%arg18 : memref<!tpu.dma_semaphore, #tpu.memory_space<semaphore_mem>>)
    %dma_start3A_76 = arith.constant 1 : i32
    %dma_start3A_77 = arith.constant 128 : i32
    %dma_start3A_78 = arith.constant 0 : i32
    %dma_start3A_79 = tpu.memref_slice %arg17[%dma_start3A_77, %dma_start3A_78] : memref<512x64xf32, #tpu.memory_space<vmem>> -> memref<128x64xf32, #tpu.memory_space<vmem>>
    %dma_start3A_80 = arith.constant 0 : i32
    %dma_start3A_81 = tpu.memref_slice %arg13[%dma_start3A_76, %dma_start3A_80] : memref<4x128xi32, #tpu.memory_space<vmem>> -> memref<1x128xi32, #tpu.memory_space<vmem>>
    %dma_start3A_82 = tpu.memref_squeeze %dma_start3A_81 : memref<1x128xi32, #tpu.memory_space<vmem>> -> memref<128xi32, #tpu.memory_space<vmem>>
    %dma_start3A_83 = arith.constant 0 : i32
    %dma_start3A_84 = arith.constant 0 : i32
    %dma_start3A_85 = tpu.memref_slice %arg7[%dma_start3A_83, %dma_start3A_84] : memref<1000000x64xf32, #tpu.memory_space<hbm>> -> memref<1000000x64xf32, #tpu.memory_space<hbm>>
    tpu.enqueue_indirect_dma source(%dma_start3A_85 : memref<1000000x64xf32, #tpu.memory_space<hbm>>) target(%dma_start3A_79 : memref<128x64xf32, #tpu.memory_space<vmem>>) offsets(%dma_start3A_82 : memref<128xi32, #tpu.memory_space<vmem>>) semaphore(%arg18 : memref<!tpu.dma_semaphore, #tpu.memory_space<semaphore_mem>>)
    %dma_start3A_86 = arith.constant 2 : i32
    %dma_start3A_87 = arith.constant 256 : i32
    %dma_start3A_88 = arith.constant 0 : i32
    %dma_start3A_89 = tpu.memref_slice %arg14[%dma_start3A_87, %dma_start3A_88] : memref<512x16xf32, #tpu.memory_space<vmem>> -> memref<128x16xf32, #tpu.memory_space<vmem>>
    %dma_start3A_90 = arith.constant 0 : i32
    %dma_start3A_91 = tpu.memref_slice %arg12[%dma_start3A_86, %dma_start3A_90] : memref<4x128xi32, #tpu.memory_space<vmem>> -> memref<1x128xi32, #tpu.memory_space<vmem>>
    %dma_start3A_92 = tpu.memref_squeeze %dma_start3A_91 : memref<1x128xi32, #tpu.memory_space<vmem>> -> memref<128xi32, #tpu.memory_space<vmem>>
    %dma_start3A_93 = arith.constant 0 : i32
    %dma_start3A_94 = arith.constant 0 : i32
    %dma_start3A_95 = tpu.memref_slice %arg4[%dma_start3A_93, %dma_start3A_94] : memref<1000000x16xf32, #tpu.memory_space<hbm>> -> memref<1000000x16xf32, #tpu.memory_space<hbm>>
    tpu.enqueue_indirect_dma source(%dma_start3A_95 : memref<1000000x16xf32, #tpu.memory_space<hbm>>) target(%dma_start3A_89 : memref<128x16xf32, #tpu.memory_space<vmem>>) offsets(%dma_start3A_92 : memref<128xi32, #tpu.memory_space<vmem>>) semaphore(%arg18 : memref<!tpu.dma_semaphore, #tpu.memory_space<semaphore_mem>>)
    %dma_start3A_96 = arith.constant 2 : i32
    %dma_start3A_97 = arith.constant 256 : i32
    %dma_start3A_98 = arith.constant 0 : i32
    %dma_start3A_99 = tpu.memref_slice %arg15[%dma_start3A_97, %dma_start3A_98] : memref<512x16xf32, #tpu.memory_space<vmem>> -> memref<128x16xf32, #tpu.memory_space<vmem>>
    %dma_start3A_100 = arith.constant 0 : i32
    %dma_start3A_101 = tpu.memref_slice %arg13[%dma_start3A_96, %dma_start3A_100] : memref<4x128xi32, #tpu.memory_space<vmem>> -> memref<1x128xi32, #tpu.memory_space<vmem>>
    %dma_start3A_102 = tpu.memref_squeeze %dma_start3A_101 : memref<1x128xi32, #tpu.memory_space<vmem>> -> memref<128xi32, #tpu.memory_space<vmem>>
    %dma_start3A_103 = arith.constant 0 : i32
    %dma_start3A_104 = arith.constant 0 : i32
    %dma_start3A_105 = tpu.memref_slice %arg5[%dma_start3A_103, %dma_start3A_104] : memref<1000000x16xf32, #tpu.memory_space<hbm>> -> memref<1000000x16xf32, #tpu.memory_space<hbm>>
    tpu.enqueue_indirect_dma source(%dma_start3A_105 : memref<1000000x16xf32, #tpu.memory_space<hbm>>) target(%dma_start3A_99 : memref<128x16xf32, #tpu.memory_space<vmem>>) offsets(%dma_start3A_102 : memref<128xi32, #tpu.memory_space<vmem>>) semaphore(%arg18 : memref<!tpu.dma_semaphore, #tpu.memory_space<semaphore_mem>>)
    %dma_start3A_106 = arith.constant 2 : i32
    %dma_start3A_107 = arith.constant 256 : i32
    %dma_start3A_108 = arith.constant 0 : i32
    %dma_start3A_109 = tpu.memref_slice %arg16[%dma_start3A_107, %dma_start3A_108] : memref<512x64xf32, #tpu.memory_space<vmem>> -> memref<128x64xf32, #tpu.memory_space<vmem>>
    %dma_start3A_110 = arith.constant 0 : i32
    %dma_start3A_111 = tpu.memref_slice %arg12[%dma_start3A_106, %dma_start3A_110] : memref<4x128xi32, #tpu.memory_space<vmem>> -> memref<1x128xi32, #tpu.memory_space<vmem>>
    %dma_start3A_112 = tpu.memref_squeeze %dma_start3A_111 : memref<1x128xi32, #tpu.memory_space<vmem>> -> memref<128xi32, #tpu.memory_space<vmem>>
    %dma_start3A_113 = arith.constant 0 : i32
    %dma_start3A_114 = arith.constant 0 : i32
    %dma_start3A_115 = tpu.memref_slice %arg6[%dma_start3A_113, %dma_start3A_114] : memref<1000000x64xf32, #tpu.memory_space<hbm>> -> memref<1000000x64xf32, #tpu.memory_space<hbm>>
    tpu.enqueue_indirect_dma source(%dma_start3A_115 : memref<1000000x64xf32, #tpu.memory_space<hbm>>) target(%dma_start3A_109 : memref<128x64xf32, #tpu.memory_space<vmem>>) offsets(%dma_start3A_112 : memref<128xi32, #tpu.memory_space<vmem>>) semaphore(%arg18 : memref<!tpu.dma_semaphore, #tpu.memory_space<semaphore_mem>>)
    %dma_start3A_116 = arith.constant 2 : i32
    %dma_start3A_117 = arith.constant 256 : i32
    %dma_start3A_118 = arith.constant 0 : i32
    %dma_start3A_119 = tpu.memref_slice %arg17[%dma_start3A_117, %dma_start3A_118] : memref<512x64xf32, #tpu.memory_space<vmem>> -> memref<128x64xf32, #tpu.memory_space<vmem>>
    %dma_start3A_120 = arith.constant 0 : i32
    %dma_start3A_121 = tpu.memref_slice %arg13[%dma_start3A_116, %dma_start3A_120] : memref<4x128xi32, #tpu.memory_space<vmem>> -> memref<1x128xi32, #tpu.memory_space<vmem>>
    %dma_start3A_122 = tpu.memref_squeeze %dma_start3A_121 : memref<1x128xi32, #tpu.memory_space<vmem>> -> memref<128xi32, #tpu.memory_space<vmem>>
    %dma_start3A_123 = arith.constant 0 : i32
    %dma_start3A_124 = arith.constant 0 : i32
    %dma_start3A_125 = tpu.memref_slice %arg7[%dma_start3A_123, %dma_start3A_124] : memref<1000000x64xf32, #tpu.memory_space<hbm>> -> memref<1000000x64xf32, #tpu.memory_space<hbm>>
    tpu.enqueue_indirect_dma source(%dma_start3A_125 : memref<1000000x64xf32, #tpu.memory_space<hbm>>) target(%dma_start3A_119 : memref<128x64xf32, #tpu.memory_space<vmem>>) offsets(%dma_start3A_122 : memref<128xi32, #tpu.memory_space<vmem>>) semaphore(%arg18 : memref<!tpu.dma_semaphore, #tpu.memory_space<semaphore_mem>>)
    %dma_start3A_126 = arith.constant 3 : i32
    %dma_start3A_127 = arith.constant 384 : i32
    %dma_start3A_128 = arith.constant 0 : i32
    %dma_start3A_129 = tpu.memref_slice %arg14[%dma_start3A_127, %dma_start3A_128] : memref<512x16xf32, #tpu.memory_space<vmem>> -> memref<128x16xf32, #tpu.memory_space<vmem>>
    %dma_start3A_130 = arith.constant 0 : i32
    %dma_start3A_131 = tpu.memref_slice %arg12[%dma_start3A_126, %dma_start3A_130] : memref<4x128xi32, #tpu.memory_space<vmem>> -> memref<1x128xi32, #tpu.memory_space<vmem>>
    %dma_start3A_132 = tpu.memref_squeeze %dma_start3A_131 : memref<1x128xi32, #tpu.memory_space<vmem>> -> memref<128xi32, #tpu.memory_space<vmem>>
    %dma_start3A_133 = arith.constant 0 : i32
    %dma_start3A_134 = arith.constant 0 : i32
    %dma_start3A_135 = tpu.memref_slice %arg4[%dma_start3A_133, %dma_start3A_134] : memref<1000000x16xf32, #tpu.memory_space<hbm>> -> memref<1000000x16xf32, #tpu.memory_space<hbm>>
    tpu.enqueue_indirect_dma source(%dma_start3A_135 : memref<1000000x16xf32, #tpu.memory_space<hbm>>) target(%dma_start3A_129 : memref<128x16xf32, #tpu.memory_space<vmem>>) offsets(%dma_start3A_132 : memref<128xi32, #tpu.memory_space<vmem>>) semaphore(%arg18 : memref<!tpu.dma_semaphore, #tpu.memory_space<semaphore_mem>>)
    %dma_start3A_136 = arith.constant 3 : i32
    %dma_start3A_137 = arith.constant 384 : i32
    %dma_start3A_138 = arith.constant 0 : i32
    %dma_start3A_139 = tpu.memref_slice %arg15[%dma_start3A_137, %dma_start3A_138] : memref<512x16xf32, #tpu.memory_space<vmem>> -> memref<128x16xf32, #tpu.memory_space<vmem>>
    %dma_start3A_140 = arith.constant 0 : i32
    %dma_start3A_141 = tpu.memref_slice %arg13[%dma_start3A_136, %dma_start3A_140] : memref<4x128xi32, #tpu.memory_space<vmem>> -> memref<1x128xi32, #tpu.memory_space<vmem>>
    %dma_start3A_142 = tpu.memref_squeeze %dma_start3A_141 : memref<1x128xi32, #tpu.memory_space<vmem>> -> memref<128xi32, #tpu.memory_space<vmem>>
    %dma_start3A_143 = arith.constant 0 : i32
    %dma_start3A_144 = arith.constant 0 : i32
    %dma_start3A_145 = tpu.memref_slice %arg5[%dma_start3A_143, %dma_start3A_144] : memref<1000000x16xf32, #tpu.memory_space<hbm>> -> memref<1000000x16xf32, #tpu.memory_space<hbm>>
    tpu.enqueue_indirect_dma source(%dma_start3A_145 : memref<1000000x16xf32, #tpu.memory_space<hbm>>) target(%dma_start3A_139 : memref<128x16xf32, #tpu.memory_space<vmem>>) offsets(%dma_start3A_142 : memref<128xi32, #tpu.memory_space<vmem>>) semaphore(%arg18 : memref<!tpu.dma_semaphore, #tpu.memory_space<semaphore_mem>>)
    %dma_start3A_146 = arith.constant 3 : i32
    %dma_start3A_147 = arith.constant 384 : i32
    %dma_start3A_148 = arith.constant 0 : i32
    %dma_start3A_149 = tpu.memref_slice %arg16[%dma_start3A_147, %dma_start3A_148] : memref<512x64xf32, #tpu.memory_space<vmem>> -> memref<128x64xf32, #tpu.memory_space<vmem>>
    %dma_start3A_150 = arith.constant 0 : i32
    %dma_start3A_151 = tpu.memref_slice %arg12[%dma_start3A_146, %dma_start3A_150] : memref<4x128xi32, #tpu.memory_space<vmem>> -> memref<1x128xi32, #tpu.memory_space<vmem>>
    %dma_start3A_152 = tpu.memref_squeeze %dma_start3A_151 : memref<1x128xi32, #tpu.memory_space<vmem>> -> memref<128xi32, #tpu.memory_space<vmem>>
    %dma_start3A_153 = arith.constant 0 : i32
    %dma_start3A_154 = arith.constant 0 : i32
    %dma_start3A_155 = tpu.memref_slice %arg6[%dma_start3A_153, %dma_start3A_154] : memref<1000000x64xf32, #tpu.memory_space<hbm>> -> memref<1000000x64xf32, #tpu.memory_space<hbm>>
    tpu.enqueue_indirect_dma source(%dma_start3A_155 : memref<1000000x64xf32, #tpu.memory_space<hbm>>) target(%dma_start3A_149 : memref<128x64xf32, #tpu.memory_space<vmem>>) offsets(%dma_start3A_152 : memref<128xi32, #tpu.memory_space<vmem>>) semaphore(%arg18 : memref<!tpu.dma_semaphore, #tpu.memory_space<semaphore_mem>>)
    %dma_start3A_156 = arith.constant 3 : i32
    %dma_start3A_157 = arith.constant 384 : i32
    %dma_start3A_158 = arith.constant 0 : i32
    %dma_start3A_159 = tpu.memref_slice %arg17[%dma_start3A_157, %dma_start3A_158] : memref<512x64xf32, #tpu.memory_space<vmem>> -> memref<128x64xf32, #tpu.memory_space<vmem>>
    %dma_start3A_160 = arith.constant 0 : i32
    %dma_start3A_161 = tpu.memref_slice %arg13[%dma_start3A_156, %dma_start3A_160] : memref<4x128xi32, #tpu.memory_space<vmem>> -> memref<1x128xi32, #tpu.memory_space<vmem>>
    %dma_start3A_162 = tpu.memref_squeeze %dma_start3A_161 : memref<1x128xi32, #tpu.memory_space<vmem>> -> memref<128xi32, #tpu.memory_space<vmem>>
    %dma_start3A_163 = arith.constant 0 : i32
    %dma_start3A_164 = arith.constant 0 : i32
    %dma_start3A_165 = tpu.memref_slice %arg7[%dma_start3A_163, %dma_start3A_164] : memref<1000000x64xf32, #tpu.memory_space<hbm>> -> memref<1000000x64xf32, #tpu.memory_space<hbm>>
    tpu.enqueue_indirect_dma source(%dma_start3A_165 : memref<1000000x64xf32, #tpu.memory_space<hbm>>) target(%dma_start3A_159 : memref<128x64xf32, #tpu.memory_space<vmem>>) offsets(%dma_start3A_162 : memref<128xi32, #tpu.memory_space<vmem>>) semaphore(%arg18 : memref<!tpu.dma_semaphore, #tpu.memory_space<semaphore_mem>>)
    %dma_wait3A = arith.constant 0 : i32
    %dma_wait3A_166 = arith.constant 0 : i32
    %dma_wait3A_167 = arith.constant 0 : i32
    %dma_wait3A_168 = tpu.memref_slice %arg14[%dma_wait3A_166, %dma_wait3A_167] : memref<512x16xf32, #tpu.memory_space<vmem>> -> memref<128x16xf32, #tpu.memory_space<vmem>>
    %dma_wait3A_169 = arith.constant 0 : i32
    %dma_wait3A_170 = tpu.memref_slice %arg12[%dma_wait3A, %dma_wait3A_169] : memref<4x128xi32, #tpu.memory_space<vmem>> -> memref<1x128xi32, #tpu.memory_space<vmem>>
    %dma_wait3A_171 = tpu.memref_squeeze %dma_wait3A_170 : memref<1x128xi32, #tpu.memory_space<vmem>> -> memref<128xi32, #tpu.memory_space<vmem>>
    %dma_wait3A_172 = arith.constant 0 : i32
    %dma_wait3A_173 = arith.constant 0 : i32
    %dma_wait3A_174 = tpu.memref_slice %arg4[%dma_wait3A_172, %dma_wait3A_173] : memref<1000000x16xf32, #tpu.memory_space<hbm>> -> memref<1000000x16xf32, #tpu.memory_space<hbm>>
    tpu.wait_indirect_dma semaphore(%arg18 : memref<!tpu.dma_semaphore, #tpu.memory_space<semaphore_mem>>) src(%dma_wait3A_174 : memref<1000000x16xf32, #tpu.memory_space<hbm>>) dst(%dma_wait3A_168 : memref<128x16xf32, #tpu.memory_space<vmem>>)
    %dma_wait3A_175 = arith.constant 0 : i32
    %dma_wait3A_176 = arith.constant 0 : i32
    %dma_wait3A_177 = arith.constant 0 : i32
    %dma_wait3A_178 = tpu.memref_slice %arg15[%dma_wait3A_176, %dma_wait3A_177] : memref<512x16xf32, #tpu.memory_space<vmem>> -> memref<128x16xf32, #tpu.memory_space<vmem>>
    %dma_wait3A_179 = arith.constant 0 : i32
    %dma_wait3A_180 = tpu.memref_slice %arg13[%dma_wait3A_175, %dma_wait3A_179] : memref<4x128xi32, #tpu.memory_space<vmem>> -> memref<1x128xi32, #tpu.memory_space<vmem>>
    %dma_wait3A_181 = tpu.memref_squeeze %dma_wait3A_180 : memref<1x128xi32, #tpu.memory_space<vmem>> -> memref<128xi32, #tpu.memory_space<vmem>>
    %dma_wait3A_182 = arith.constant 0 : i32
    %dma_wait3A_183 = arith.constant 0 : i32
    %dma_wait3A_184 = tpu.memref_slice %arg5[%dma_wait3A_182, %dma_wait3A_183] : memref<1000000x16xf32, #tpu.memory_space<hbm>> -> memref<1000000x16xf32, #tpu.memory_space<hbm>>
    tpu.wait_indirect_dma semaphore(%arg18 : memref<!tpu.dma_semaphore, #tpu.memory_space<semaphore_mem>>) src(%dma_wait3A_184 : memref<1000000x16xf32, #tpu.memory_space<hbm>>) dst(%dma_wait3A_178 : memref<128x16xf32, #tpu.memory_space<vmem>>)
    %dma_wait3A_185 = arith.constant 0 : i32
    %dma_wait3A_186 = arith.constant 0 : i32
    %dma_wait3A_187 = arith.constant 0 : i32
    %dma_wait3A_188 = tpu.memref_slice %arg16[%dma_wait3A_186, %dma_wait3A_187] : memref<512x64xf32, #tpu.memory_space<vmem>> -> memref<128x64xf32, #tpu.memory_space<vmem>>
    %dma_wait3A_189 = arith.constant 0 : i32
    %dma_wait3A_190 = tpu.memref_slice %arg12[%dma_wait3A_185, %dma_wait3A_189] : memref<4x128xi32, #tpu.memory_space<vmem>> -> memref<1x128xi32, #tpu.memory_space<vmem>>
    %dma_wait3A_191 = tpu.memref_squeeze %dma_wait3A_190 : memref<1x128xi32, #tpu.memory_space<vmem>> -> memref<128xi32, #tpu.memory_space<vmem>>
    %dma_wait3A_192 = arith.constant 0 : i32
    %dma_wait3A_193 = arith.constant 0 : i32
    %dma_wait3A_194 = tpu.memref_slice %arg6[%dma_wait3A_192, %dma_wait3A_193] : memref<1000000x64xf32, #tpu.memory_space<hbm>> -> memref<1000000x64xf32, #tpu.memory_space<hbm>>
    tpu.wait_indirect_dma semaphore(%arg18 : memref<!tpu.dma_semaphore, #tpu.memory_space<semaphore_mem>>) src(%dma_wait3A_194 : memref<1000000x64xf32, #tpu.memory_space<hbm>>) dst(%dma_wait3A_188 : memref<128x64xf32, #tpu.memory_space<vmem>>)
    %dma_wait3A_195 = arith.constant 0 : i32
    %dma_wait3A_196 = arith.constant 0 : i32
    %dma_wait3A_197 = arith.constant 0 : i32
    %dma_wait3A_198 = tpu.memref_slice %arg17[%dma_wait3A_196, %dma_wait3A_197] : memref<512x64xf32, #tpu.memory_space<vmem>> -> memref<128x64xf32, #tpu.memory_space<vmem>>
    %dma_wait3A_199 = arith.constant 0 : i32
    %dma_wait3A_200 = tpu.memref_slice %arg13[%dma_wait3A_195, %dma_wait3A_199] : memref<4x128xi32, #tpu.memory_space<vmem>> -> memref<1x128xi32, #tpu.memory_space<vmem>>
    %dma_wait3A_201 = tpu.memref_squeeze %dma_wait3A_200 : memref<1x128xi32, #tpu.memory_space<vmem>> -> memref<128xi32, #tpu.memory_space<vmem>>
    %dma_wait3A_202 = arith.constant 0 : i32
    %dma_wait3A_203 = arith.constant 0 : i32
    %dma_wait3A_204 = tpu.memref_slice %arg7[%dma_wait3A_202, %dma_wait3A_203] : memref<1000000x64xf32, #tpu.memory_space<hbm>> -> memref<1000000x64xf32, #tpu.memory_space<hbm>>
    tpu.wait_indirect_dma semaphore(%arg18 : memref<!tpu.dma_semaphore, #tpu.memory_space<semaphore_mem>>) src(%dma_wait3A_204 : memref<1000000x64xf32, #tpu.memory_space<hbm>>) dst(%dma_wait3A_198 : memref<128x64xf32, #tpu.memory_space<vmem>>)
    %dma_wait3A_205 = arith.constant 1 : i32
    %dma_wait3A_206 = arith.constant 128 : i32
    %dma_wait3A_207 = arith.constant 0 : i32
    %dma_wait3A_208 = tpu.memref_slice %arg14[%dma_wait3A_206, %dma_wait3A_207] : memref<512x16xf32, #tpu.memory_space<vmem>> -> memref<128x16xf32, #tpu.memory_space<vmem>>
    %dma_wait3A_209 = arith.constant 0 : i32
    %dma_wait3A_210 = tpu.memref_slice %arg12[%dma_wait3A_205, %dma_wait3A_209] : memref<4x128xi32, #tpu.memory_space<vmem>> -> memref<1x128xi32, #tpu.memory_space<vmem>>
    %dma_wait3A_211 = tpu.memref_squeeze %dma_wait3A_210 : memref<1x128xi32, #tpu.memory_space<vmem>> -> memref<128xi32, #tpu.memory_space<vmem>>
    %dma_wait3A_212 = arith.constant 0 : i32
    %dma_wait3A_213 = arith.constant 0 : i32
    %dma_wait3A_214 = tpu.memref_slice %arg4[%dma_wait3A_212, %dma_wait3A_213] : memref<1000000x16xf32, #tpu.memory_space<hbm>> -> memref<1000000x16xf32, #tpu.memory_space<hbm>>
    tpu.wait_indirect_dma semaphore(%arg18 : memref<!tpu.dma_semaphore, #tpu.memory_space<semaphore_mem>>) src(%dma_wait3A_214 : memref<1000000x16xf32, #tpu.memory_space<hbm>>) dst(%dma_wait3A_208 : memref<128x16xf32, #tpu.memory_space<vmem>>)
    %dma_wait3A_215 = arith.constant 1 : i32
    %dma_wait3A_216 = arith.constant 128 : i32
    %dma_wait3A_217 = arith.constant 0 : i32
    %dma_wait3A_218 = tpu.memref_slice %arg15[%dma_wait3A_216, %dma_wait3A_217] : memref<512x16xf32, #tpu.memory_space<vmem>> -> memref<128x16xf32, #tpu.memory_space<vmem>>
    %dma_wait3A_219 = arith.constant 0 : i32
    %dma_wait3A_220 = tpu.memref_slice %arg13[%dma_wait3A_215, %dma_wait3A_219] : memref<4x128xi32, #tpu.memory_space<vmem>> -> memref<1x128xi32, #tpu.memory_space<vmem>>
    %dma_wait3A_221 = tpu.memref_squeeze %dma_wait3A_220 : memref<1x128xi32, #tpu.memory_space<vmem>> -> memref<128xi32, #tpu.memory_space<vmem>>
    %dma_wait3A_222 = arith.constant 0 : i32
    %dma_wait3A_223 = arith.constant 0 : i32
    %dma_wait3A_224 = tpu.memref_slice %arg5[%dma_wait3A_222, %dma_wait3A_223] : memref<1000000x16xf32, #tpu.memory_space<hbm>> -> memref<1000000x16xf32, #tpu.memory_space<hbm>>
    tpu.wait_indirect_dma semaphore(%arg18 : memref<!tpu.dma_semaphore, #tpu.memory_space<semaphore_mem>>) src(%dma_wait3A_224 : memref<1000000x16xf32, #tpu.memory_space<hbm>>) dst(%dma_wait3A_218 : memref<128x16xf32, #tpu.memory_space<vmem>>)
    %dma_wait3A_225 = arith.constant 1 : i32
    %dma_wait3A_226 = arith.constant 128 : i32
    %dma_wait3A_227 = arith.constant 0 : i32
    %dma_wait3A_228 = tpu.memref_slice %arg16[%dma_wait3A_226, %dma_wait3A_227] : memref<512x64xf32, #tpu.memory_space<vmem>> -> memref<128x64xf32, #tpu.memory_space<vmem>>
    %dma_wait3A_229 = arith.constant 0 : i32
    %dma_wait3A_230 = tpu.memref_slice %arg12[%dma_wait3A_225, %dma_wait3A_229] : memref<4x128xi32, #tpu.memory_space<vmem>> -> memref<1x128xi32, #tpu.memory_space<vmem>>
    %dma_wait3A_231 = tpu.memref_squeeze %dma_wait3A_230 : memref<1x128xi32, #tpu.memory_space<vmem>> -> memref<128xi32, #tpu.memory_space<vmem>>
    %dma_wait3A_232 = arith.constant 0 : i32
    %dma_wait3A_233 = arith.constant 0 : i32
    %dma_wait3A_234 = tpu.memref_slice %arg6[%dma_wait3A_232, %dma_wait3A_233] : memref<1000000x64xf32, #tpu.memory_space<hbm>> -> memref<1000000x64xf32, #tpu.memory_space<hbm>>
    tpu.wait_indirect_dma semaphore(%arg18 : memref<!tpu.dma_semaphore, #tpu.memory_space<semaphore_mem>>) src(%dma_wait3A_234 : memref<1000000x64xf32, #tpu.memory_space<hbm>>) dst(%dma_wait3A_228 : memref<128x64xf32, #tpu.memory_space<vmem>>)
    %dma_wait3A_235 = arith.constant 1 : i32
    %dma_wait3A_236 = arith.constant 128 : i32
    %dma_wait3A_237 = arith.constant 0 : i32
    %dma_wait3A_238 = tpu.memref_slice %arg17[%dma_wait3A_236, %dma_wait3A_237] : memref<512x64xf32, #tpu.memory_space<vmem>> -> memref<128x64xf32, #tpu.memory_space<vmem>>
    %dma_wait3A_239 = arith.constant 0 : i32
    %dma_wait3A_240 = tpu.memref_slice %arg13[%dma_wait3A_235, %dma_wait3A_239] : memref<4x128xi32, #tpu.memory_space<vmem>> -> memref<1x128xi32, #tpu.memory_space<vmem>>
    %dma_wait3A_241 = tpu.memref_squeeze %dma_wait3A_240 : memref<1x128xi32, #tpu.memory_space<vmem>> -> memref<128xi32, #tpu.memory_space<vmem>>
    %dma_wait3A_242 = arith.constant 0 : i32
    %dma_wait3A_243 = arith.constant 0 : i32
    %dma_wait3A_244 = tpu.memref_slice %arg7[%dma_wait3A_242, %dma_wait3A_243] : memref<1000000x64xf32, #tpu.memory_space<hbm>> -> memref<1000000x64xf32, #tpu.memory_space<hbm>>
    tpu.wait_indirect_dma semaphore(%arg18 : memref<!tpu.dma_semaphore, #tpu.memory_space<semaphore_mem>>) src(%dma_wait3A_244 : memref<1000000x64xf32, #tpu.memory_space<hbm>>) dst(%dma_wait3A_238 : memref<128x64xf32, #tpu.memory_space<vmem>>)
    %dma_wait3A_245 = arith.constant 2 : i32
    %dma_wait3A_246 = arith.constant 256 : i32
    %dma_wait3A_247 = arith.constant 0 : i32
    %dma_wait3A_248 = tpu.memref_slice %arg14[%dma_wait3A_246, %dma_wait3A_247] : memref<512x16xf32, #tpu.memory_space<vmem>> -> memref<128x16xf32, #tpu.memory_space<vmem>>
    %dma_wait3A_249 = arith.constant 0 : i32
    %dma_wait3A_250 = tpu.memref_slice %arg12[%dma_wait3A_245, %dma_wait3A_249] : memref<4x128xi32, #tpu.memory_space<vmem>> -> memref<1x128xi32, #tpu.memory_space<vmem>>
    %dma_wait3A_251 = tpu.memref_squeeze %dma_wait3A_250 : memref<1x128xi32, #tpu.memory_space<vmem>> -> memref<128xi32, #tpu.memory_space<vmem>>
    %dma_wait3A_252 = arith.constant 0 : i32
    %dma_wait3A_253 = arith.constant 0 : i32
    %dma_wait3A_254 = tpu.memref_slice %arg4[%dma_wait3A_252, %dma_wait3A_253] : memref<1000000x16xf32, #tpu.memory_space<hbm>> -> memref<1000000x16xf32, #tpu.memory_space<hbm>>
    tpu.wait_indirect_dma semaphore(%arg18 : memref<!tpu.dma_semaphore, #tpu.memory_space<semaphore_mem>>) src(%dma_wait3A_254 : memref<1000000x16xf32, #tpu.memory_space<hbm>>) dst(%dma_wait3A_248 : memref<128x16xf32, #tpu.memory_space<vmem>>)
    %dma_wait3A_255 = arith.constant 2 : i32
    %dma_wait3A_256 = arith.constant 256 : i32
    %dma_wait3A_257 = arith.constant 0 : i32
    %dma_wait3A_258 = tpu.memref_slice %arg15[%dma_wait3A_256, %dma_wait3A_257] : memref<512x16xf32, #tpu.memory_space<vmem>> -> memref<128x16xf32, #tpu.memory_space<vmem>>
    %dma_wait3A_259 = arith.constant 0 : i32
    %dma_wait3A_260 = tpu.memref_slice %arg13[%dma_wait3A_255, %dma_wait3A_259] : memref<4x128xi32, #tpu.memory_space<vmem>> -> memref<1x128xi32, #tpu.memory_space<vmem>>
    %dma_wait3A_261 = tpu.memref_squeeze %dma_wait3A_260 : memref<1x128xi32, #tpu.memory_space<vmem>> -> memref<128xi32, #tpu.memory_space<vmem>>
    %dma_wait3A_262 = arith.constant 0 : i32
    %dma_wait3A_263 = arith.constant 0 : i32
    %dma_wait3A_264 = tpu.memref_slice %arg5[%dma_wait3A_262, %dma_wait3A_263] : memref<1000000x16xf32, #tpu.memory_space<hbm>> -> memref<1000000x16xf32, #tpu.memory_space<hbm>>
    tpu.wait_indirect_dma semaphore(%arg18 : memref<!tpu.dma_semaphore, #tpu.memory_space<semaphore_mem>>) src(%dma_wait3A_264 : memref<1000000x16xf32, #tpu.memory_space<hbm>>) dst(%dma_wait3A_258 : memref<128x16xf32, #tpu.memory_space<vmem>>)
    %dma_wait3A_265 = arith.constant 2 : i32
    %dma_wait3A_266 = arith.constant 256 : i32
    %dma_wait3A_267 = arith.constant 0 : i32
    %dma_wait3A_268 = tpu.memref_slice %arg16[%dma_wait3A_266, %dma_wait3A_267] : memref<512x64xf32, #tpu.memory_space<vmem>> -> memref<128x64xf32, #tpu.memory_space<vmem>>
    %dma_wait3A_269 = arith.constant 0 : i32
    %dma_wait3A_270 = tpu.memref_slice %arg12[%dma_wait3A_265, %dma_wait3A_269] : memref<4x128xi32, #tpu.memory_space<vmem>> -> memref<1x128xi32, #tpu.memory_space<vmem>>
    %dma_wait3A_271 = tpu.memref_squeeze %dma_wait3A_270 : memref<1x128xi32, #tpu.memory_space<vmem>> -> memref<128xi32, #tpu.memory_space<vmem>>
    %dma_wait3A_272 = arith.constant 0 : i32
    %dma_wait3A_273 = arith.constant 0 : i32
    %dma_wait3A_274 = tpu.memref_slice %arg6[%dma_wait3A_272, %dma_wait3A_273] : memref<1000000x64xf32, #tpu.memory_space<hbm>> -> memref<1000000x64xf32, #tpu.memory_space<hbm>>
    tpu.wait_indirect_dma semaphore(%arg18 : memref<!tpu.dma_semaphore, #tpu.memory_space<semaphore_mem>>) src(%dma_wait3A_274 : memref<1000000x64xf32, #tpu.memory_space<hbm>>) dst(%dma_wait3A_268 : memref<128x64xf32, #tpu.memory_space<vmem>>)
    %dma_wait3A_275 = arith.constant 2 : i32
    %dma_wait3A_276 = arith.constant 256 : i32
    %dma_wait3A_277 = arith.constant 0 : i32
    %dma_wait3A_278 = tpu.memref_slice %arg17[%dma_wait3A_276, %dma_wait3A_277] : memref<512x64xf32, #tpu.memory_space<vmem>> -> memref<128x64xf32, #tpu.memory_space<vmem>>
    %dma_wait3A_279 = arith.constant 0 : i32
    %dma_wait3A_280 = tpu.memref_slice %arg13[%dma_wait3A_275, %dma_wait3A_279] : memref<4x128xi32, #tpu.memory_space<vmem>> -> memref<1x128xi32, #tpu.memory_space<vmem>>
    %dma_wait3A_281 = tpu.memref_squeeze %dma_wait3A_280 : memref<1x128xi32, #tpu.memory_space<vmem>> -> memref<128xi32, #tpu.memory_space<vmem>>
    %dma_wait3A_282 = arith.constant 0 : i32
    %dma_wait3A_283 = arith.constant 0 : i32
    %dma_wait3A_284 = tpu.memref_slice %arg7[%dma_wait3A_282, %dma_wait3A_283] : memref<1000000x64xf32, #tpu.memory_space<hbm>> -> memref<1000000x64xf32, #tpu.memory_space<hbm>>
    tpu.wait_indirect_dma semaphore(%arg18 : memref<!tpu.dma_semaphore, #tpu.memory_space<semaphore_mem>>) src(%dma_wait3A_284 : memref<1000000x64xf32, #tpu.memory_space<hbm>>) dst(%dma_wait3A_278 : memref<128x64xf32, #tpu.memory_space<vmem>>)
    %dma_wait3A_285 = arith.constant 3 : i32
    %dma_wait3A_286 = arith.constant 384 : i32
    %dma_wait3A_287 = arith.constant 0 : i32
    %dma_wait3A_288 = tpu.memref_slice %arg14[%dma_wait3A_286, %dma_wait3A_287] : memref<512x16xf32, #tpu.memory_space<vmem>> -> memref<128x16xf32, #tpu.memory_space<vmem>>
    %dma_wait3A_289 = arith.constant 0 : i32
    %dma_wait3A_290 = tpu.memref_slice %arg12[%dma_wait3A_285, %dma_wait3A_289] : memref<4x128xi32, #tpu.memory_space<vmem>> -> memref<1x128xi32, #tpu.memory_space<vmem>>
    %dma_wait3A_291 = tpu.memref_squeeze %dma_wait3A_290 : memref<1x128xi32, #tpu.memory_space<vmem>> -> memref<128xi32, #tpu.memory_space<vmem>>
    %dma_wait3A_292 = arith.constant 0 : i32
    %dma_wait3A_293 = arith.constant 0 : i32
    %dma_wait3A_294 = tpu.memref_slice %arg4[%dma_wait3A_292, %dma_wait3A_293] : memref<1000000x16xf32, #tpu.memory_space<hbm>> -> memref<1000000x16xf32, #tpu.memory_space<hbm>>
    tpu.wait_indirect_dma semaphore(%arg18 : memref<!tpu.dma_semaphore, #tpu.memory_space<semaphore_mem>>) src(%dma_wait3A_294 : memref<1000000x16xf32, #tpu.memory_space<hbm>>) dst(%dma_wait3A_288 : memref<128x16xf32, #tpu.memory_space<vmem>>)
    %dma_wait3A_295 = arith.constant 3 : i32
    %dma_wait3A_296 = arith.constant 384 : i32
    %dma_wait3A_297 = arith.constant 0 : i32
    %dma_wait3A_298 = tpu.memref_slice %arg15[%dma_wait3A_296, %dma_wait3A_297] : memref<512x16xf32, #tpu.memory_space<vmem>> -> memref<128x16xf32, #tpu.memory_space<vmem>>
    %dma_wait3A_299 = arith.constant 0 : i32
    %dma_wait3A_300 = tpu.memref_slice %arg13[%dma_wait3A_295, %dma_wait3A_299] : memref<4x128xi32, #tpu.memory_space<vmem>> -> memref<1x128xi32, #tpu.memory_space<vmem>>
    %dma_wait3A_301 = tpu.memref_squeeze %dma_wait3A_300 : memref<1x128xi32, #tpu.memory_space<vmem>> -> memref<128xi32, #tpu.memory_space<vmem>>
    %dma_wait3A_302 = arith.constant 0 : i32
    %dma_wait3A_303 = arith.constant 0 : i32
    %dma_wait3A_304 = tpu.memref_slice %arg5[%dma_wait3A_302, %dma_wait3A_303] : memref<1000000x16xf32, #tpu.memory_space<hbm>> -> memref<1000000x16xf32, #tpu.memory_space<hbm>>
    tpu.wait_indirect_dma semaphore(%arg18 : memref<!tpu.dma_semaphore, #tpu.memory_space<semaphore_mem>>) src(%dma_wait3A_304 : memref<1000000x16xf32, #tpu.memory_space<hbm>>) dst(%dma_wait3A_298 : memref<128x16xf32, #tpu.memory_space<vmem>>)
    %dma_wait3A_305 = arith.constant 3 : i32
    %dma_wait3A_306 = arith.constant 384 : i32
    %dma_wait3A_307 = arith.constant 0 : i32
    %dma_wait3A_308 = tpu.memref_slice %arg16[%dma_wait3A_306, %dma_wait3A_307] : memref<512x64xf32, #tpu.memory_space<vmem>> -> memref<128x64xf32, #tpu.memory_space<vmem>>
    %dma_wait3A_309 = arith.constant 0 : i32
    %dma_wait3A_310 = tpu.memref_slice %arg12[%dma_wait3A_305, %dma_wait3A_309] : memref<4x128xi32, #tpu.memory_space<vmem>> -> memref<1x128xi32, #tpu.memory_space<vmem>>
    %dma_wait3A_311 = tpu.memref_squeeze %dma_wait3A_310 : memref<1x128xi32, #tpu.memory_space<vmem>> -> memref<128xi32, #tpu.memory_space<vmem>>
    %dma_wait3A_312 = arith.constant 0 : i32
    %dma_wait3A_313 = arith.constant 0 : i32
    %dma_wait3A_314 = tpu.memref_slice %arg6[%dma_wait3A_312, %dma_wait3A_313] : memref<1000000x64xf32, #tpu.memory_space<hbm>> -> memref<1000000x64xf32, #tpu.memory_space<hbm>>
    tpu.wait_indirect_dma semaphore(%arg18 : memref<!tpu.dma_semaphore, #tpu.memory_space<semaphore_mem>>) src(%dma_wait3A_314 : memref<1000000x64xf32, #tpu.memory_space<hbm>>) dst(%dma_wait3A_308 : memref<128x64xf32, #tpu.memory_space<vmem>>)
    %dma_wait3A_315 = arith.constant 3 : i32
    %dma_wait3A_316 = arith.constant 384 : i32
    %dma_wait3A_317 = arith.constant 0 : i32
    %dma_wait3A_318 = tpu.memref_slice %arg17[%dma_wait3A_316, %dma_wait3A_317] : memref<512x64xf32, #tpu.memory_space<vmem>> -> memref<128x64xf32, #tpu.memory_space<vmem>>
    %dma_wait3A_319 = arith.constant 0 : i32
    %dma_wait3A_320 = tpu.memref_slice %arg13[%dma_wait3A_315, %dma_wait3A_319] : memref<4x128xi32, #tpu.memory_space<vmem>> -> memref<1x128xi32, #tpu.memory_space<vmem>>
    %dma_wait3A_321 = tpu.memref_squeeze %dma_wait3A_320 : memref<1x128xi32, #tpu.memory_space<vmem>> -> memref<128xi32, #tpu.memory_space<vmem>>
    %dma_wait3A_322 = arith.constant 0 : i32
    %dma_wait3A_323 = arith.constant 0 : i32
    %dma_wait3A_324 = tpu.memref_slice %arg7[%dma_wait3A_322, %dma_wait3A_323] : memref<1000000x64xf32, #tpu.memory_space<hbm>> -> memref<1000000x64xf32, #tpu.memory_space<hbm>>
    tpu.wait_indirect_dma semaphore(%arg18 : memref<!tpu.dma_semaphore, #tpu.memory_space<semaphore_mem>>) src(%dma_wait3A_324 : memref<1000000x64xf32, #tpu.memory_space<hbm>>) dst(%dma_wait3A_318 : memref<128x64xf32, #tpu.memory_space<vmem>>)
    "tpu.region"() ({
      %run_scoped3A = tpu.sem_alloc : memref<!tpu.dma_semaphore, #tpu.memory_space<semaphore_mem>>
      %dma_start3A_325 = arith.constant 0 : i32
      %dma_start3A_326 = tpu.memref_slice %arg8[%mul3A_2, %dma_start3A_325] : memref<16384x16xf32, #tpu.memory_space<hbm>> -> memref<512x16xf32, #tpu.memory_space<hbm>>
      %dma_start3A_327 = arith.constant 0 : i32
      %dma_start3A_328 = tpu.memref_slice %arg8[%mul3A_2, %dma_start3A_327] : memref<16384x16xf32, #tpu.memory_space<hbm>> -> memref<512x16xf32, #tpu.memory_space<hbm>>
      tpu.enqueue_dma source(%arg14 : memref<512x16xf32, #tpu.memory_space<vmem>>) target(%dma_start3A_328 : memref<512x16xf32, #tpu.memory_space<hbm>>) target_semaphore(%run_scoped3A : memref<!tpu.dma_semaphore, #tpu.memory_space<semaphore_mem>>)
      %dma_wait3A_329 = arith.constant 0 : i32
      %dma_wait3A_330 = tpu.memref_slice %arg8[%mul3A_2, %dma_wait3A_329] : memref<16384x16xf32, #tpu.memory_space<hbm>> -> memref<512x16xf32, #tpu.memory_space<hbm>>
      %dma_wait3A_331 = arith.constant 0 : i32
      %dma_wait3A_332 = tpu.memref_slice %arg8[%mul3A_2, %dma_wait3A_331] : memref<16384x16xf32, #tpu.memory_space<hbm>> -> memref<512x16xf32, #tpu.memory_space<hbm>>
      tpu.wait_dma2 semaphore(%run_scoped3A : memref<!tpu.dma_semaphore, #tpu.memory_space<semaphore_mem>>) src(%arg14 : memref<512x16xf32, #tpu.memory_space<vmem>>) dst(%dma_wait3A_332 : memref<512x16xf32, #tpu.memory_space<hbm>>)
      tpu.yield
    }) : () -> ()
    "tpu.region"() ({
      %run_scoped3A = tpu.sem_alloc : memref<!tpu.dma_semaphore, #tpu.memory_space<semaphore_mem>>
      %dma_start3A_325 = arith.constant 0 : i32
      %dma_start3A_326 = tpu.memref_slice %arg9[%mul3A_2, %dma_start3A_325] : memref<16384x16xf32, #tpu.memory_space<hbm>> -> memref<512x16xf32, #tpu.memory_space<hbm>>
      %dma_start3A_327 = arith.constant 0 : i32
      %dma_start3A_328 = tpu.memref_slice %arg9[%mul3A_2, %dma_start3A_327] : memref<16384x16xf32, #tpu.memory_space<hbm>> -> memref<512x16xf32, #tpu.memory_space<hbm>>
      tpu.enqueue_dma source(%arg15 : memref<512x16xf32, #tpu.memory_space<vmem>>) target(%dma_start3A_328 : memref<512x16xf32, #tpu.memory_space<hbm>>) target_semaphore(%run_scoped3A : memref<!tpu.dma_semaphore, #tpu.memory_space<semaphore_mem>>)
      %dma_wait3A_329 = arith.constant 0 : i32
      %dma_wait3A_330 = tpu.memref_slice %arg9[%mul3A_2, %dma_wait3A_329] : memref<16384x16xf32, #tpu.memory_space<hbm>> -> memref<512x16xf32, #tpu.memory_space<hbm>>
      %dma_wait3A_331 = arith.constant 0 : i32
      %dma_wait3A_332 = tpu.memref_slice %arg9[%mul3A_2, %dma_wait3A_331] : memref<16384x16xf32, #tpu.memory_space<hbm>> -> memref<512x16xf32, #tpu.memory_space<hbm>>
      tpu.wait_dma2 semaphore(%run_scoped3A : memref<!tpu.dma_semaphore, #tpu.memory_space<semaphore_mem>>) src(%arg15 : memref<512x16xf32, #tpu.memory_space<vmem>>) dst(%dma_wait3A_332 : memref<512x16xf32, #tpu.memory_space<hbm>>)
      tpu.yield
    }) : () -> ()
    "tpu.region"() ({
      %run_scoped3A = tpu.sem_alloc : memref<!tpu.dma_semaphore, #tpu.memory_space<semaphore_mem>>
      %dma_start3A_325 = arith.constant 0 : i32
      %dma_start3A_326 = tpu.memref_slice %arg10[%mul3A_2, %dma_start3A_325] : memref<16384x64xf32, #tpu.memory_space<hbm>> -> memref<512x64xf32, #tpu.memory_space<hbm>>
      %dma_start3A_327 = arith.constant 0 : i32
      %dma_start3A_328 = tpu.memref_slice %arg10[%mul3A_2, %dma_start3A_327] : memref<16384x64xf32, #tpu.memory_space<hbm>> -> memref<512x64xf32, #tpu.memory_space<hbm>>
      tpu.enqueue_dma source(%arg16 : memref<512x64xf32, #tpu.memory_space<vmem>>) target(%dma_start3A_328 : memref<512x64xf32, #tpu.memory_space<hbm>>) target_semaphore(%run_scoped3A : memref<!tpu.dma_semaphore, #tpu.memory_space<semaphore_mem>>)
      %dma_wait3A_329 = arith.constant 0 : i32
      %dma_wait3A_330 = tpu.memref_slice %arg10[%mul3A_2, %dma_wait3A_329] : memref<16384x64xf32, #tpu.memory_space<hbm>> -> memref<512x64xf32, #tpu.memory_space<hbm>>
      %dma_wait3A_331 = arith.constant 0 : i32
      %dma_wait3A_332 = tpu.memref_slice %arg10[%mul3A_2, %dma_wait3A_331] : memref<16384x64xf32, #tpu.memory_space<hbm>> -> memref<512x64xf32, #tpu.memory_space<hbm>>
      tpu.wait_dma2 semaphore(%run_scoped3A : memref<!tpu.dma_semaphore, #tpu.memory_space<semaphore_mem>>) src(%arg16 : memref<512x64xf32, #tpu.memory_space<vmem>>) dst(%dma_wait3A_332 : memref<512x64xf32, #tpu.memory_space<hbm>>)
      tpu.yield
    }) : () -> ()
    "tpu.region"() ({
      %run_scoped3A = tpu.sem_alloc : memref<!tpu.dma_semaphore, #tpu.memory_space<semaphore_mem>>
      %dma_start3A_325 = arith.constant 0 : i32
      %dma_start3A_326 = tpu.memref_slice %arg11[%mul3A_2, %dma_start3A_325] : memref<16384x64xf32, #tpu.memory_space<hbm>> -> memref<512x64xf32, #tpu.memory_space<hbm>>
      %dma_start3A_327 = arith.constant 0 : i32
      %dma_start3A_328 = tpu.memref_slice %arg11[%mul3A_2, %dma_start3A_327] : memref<16384x64xf32, #tpu.memory_space<hbm>> -> memref<512x64xf32, #tpu.memory_space<hbm>>
      tpu.enqueue_dma source(%arg17 : memref<512x64xf32, #tpu.memory_space<vmem>>) target(%dma_start3A_328 : memref<512x64xf32, #tpu.memory_space<hbm>>) target_semaphore(%run_scoped3A : memref<!tpu.dma_semaphore, #tpu.memory_space<semaphore_mem>>)
      %dma_wait3A_329 = arith.constant 0 : i32
      %dma_wait3A_330 = tpu.memref_slice %arg11[%mul3A_2, %dma_wait3A_329] : memref<16384x64xf32, #tpu.memory_space<hbm>> -> memref<512x64xf32, #tpu.memory_space<hbm>>
      %dma_wait3A_331 = arith.constant 0 : i32
      %dma_wait3A_332 = tpu.memref_slice %arg11[%mul3A_2, %dma_wait3A_331] : memref<16384x64xf32, #tpu.memory_space<hbm>> -> memref<512x64xf32, #tpu.memory_space<hbm>>
      tpu.wait_dma2 semaphore(%run_scoped3A : memref<!tpu.dma_semaphore, #tpu.memory_space<semaphore_mem>>) src(%arg17 : memref<512x64xf32, #tpu.memory_space<vmem>>) dst(%dma_wait3A_332 : memref<512x64xf32, #tpu.memory_space<hbm>>)
      tpu.yield
    }) : () -> ()
    return
  }
}

module attributes {stable_mosaic.version = 14 : i64} {
  func.func @_tc_mlp_body(%arg0: i32, %arg1: memref<1024x16xf32, #tpu.memory_space<vmem>>, %arg2: memref<1024x16xf32, #tpu.memory_space<vmem>>, %arg3: memref<1024x64xf32, #tpu.memory_space<vmem>>, %arg4: memref<1024x64xf32, #tpu.memory_space<vmem>>, %arg5: memref<128x64xf32, #tpu.memory_space<vmem>>, %arg6: memref<1x64xf32, #tpu.memory_space<vmem>>, %arg7: memref<64x32xf32, #tpu.memory_space<vmem>>, %arg8: memref<1x32xf32, #tpu.memory_space<vmem>>, %arg9: memref<32x16xf32, #tpu.memory_space<vmem>>, %arg10: memref<1x16xf32, #tpu.memory_space<vmem>>, %arg11: memref<32x1xf32, #tpu.memory_space<vmem>>, %arg12: memref<1x1xf32, #tpu.memory_space<vmem>>, %arg13: memref<1024x1xf32, #tpu.memory_space<vmem>>) attributes {dimension_semantics = [#tpu.dimension_semantics<arbitrary>], iteration_bounds = array<i64: 16>, scalar_prefetch = 0 : i64, scratch_operands = 0 : i64, tpu.core_type = #tpu.core_type<tc>, window_params = [{transform_indices = @transform_0, window_bounds = array<i64: 1024, 16>}, {transform_indices = @transform_1, window_bounds = array<i64: 1024, 16>}, {transform_indices = @transform_2, window_bounds = array<i64: 1024, 64>}, {transform_indices = @transform_3, window_bounds = array<i64: 1024, 64>}, {pipeline_mode = #tpu.pipeline_mode<synchronous>, transform_indices = @transform_4, window_bounds = array<i64: 128, 64>}, {pipeline_mode = #tpu.pipeline_mode<synchronous>, transform_indices = @transform_5, window_bounds = array<i64: 1, 64>}, {pipeline_mode = #tpu.pipeline_mode<synchronous>, transform_indices = @transform_6, window_bounds = array<i64: 64, 32>}, {pipeline_mode = #tpu.pipeline_mode<synchronous>, transform_indices = @transform_7, window_bounds = array<i64: 1, 32>}, {pipeline_mode = #tpu.pipeline_mode<synchronous>, transform_indices = @transform_8, window_bounds = array<i64: 32, 16>}, {pipeline_mode = #tpu.pipeline_mode<synchronous>, transform_indices = @transform_9, window_bounds = array<i64: 1, 16>}, {pipeline_mode = #tpu.pipeline_mode<synchronous>, transform_indices = @transform_10, window_bounds = array<i64: 32, 1>}, {pipeline_mode = #tpu.pipeline_mode<synchronous>, transform_indices = @transform_11, window_bounds = array<i64: 1, 1>}, {transform_indices = @transform_12, window_bounds = array<i64: 1024, 1>}]} {
    %get3A = arith.constant 0 : index
    %get3A_0 = arith.constant 0 : index
    %get3A_1 = vector.load %arg5[%get3A, %get3A_0] : memref<128x64xf32, #tpu.memory_space<vmem>>, vector<128x64xf32>
    %get3A_2 = arith.constant 0 : index
    %get3A_3 = arith.constant 0 : index
    %get3A_4 = vector.load %arg3[%get3A_2, %get3A_3] : memref<1024x64xf32, #tpu.memory_space<vmem>>, vector<1024x64xf32>
    %get3A_5 = arith.constant 0 : index
    %get3A_6 = arith.constant 0 : index
    %get3A_7 = vector.load %arg4[%get3A_5, %get3A_6] : memref<1024x64xf32, #tpu.memory_space<vmem>>, vector<1024x64xf32>
    %slice3A = vector.extract_strided_slice %get3A_1 {offsets = [0, 0], sizes = [64, 64], strides = [1, 1]} : vector<128x64xf32> to vector<64x64xf32>
    %dot_general3A = arith.constant dense<0.000000e+00> : vector<1024x64xf32>
    %dot_general3A_8 = tpu.matmul %get3A_4, %slice3A, %dot_general3A {dimension_numbers = #tpu.dot_dimension_numbers<[1], [0], [0], [1], [0, 0, 1, 1], [], []>, transpose_lhs_hint = false} : vector<1024x64xf32>, vector<64x64xf32>, vector<1024x64xf32> -> vector<1024x64xf32>
    %slice3A_9 = vector.extract_strided_slice %get3A_1 {offsets = [64, 0], sizes = [64, 64], strides = [1, 1]} : vector<128x64xf32> to vector<64x64xf32>
    %dot_general3A_10 = arith.constant dense<0.000000e+00> : vector<1024x64xf32>
    %dot_general3A_11 = tpu.matmul %get3A_7, %slice3A_9, %dot_general3A_10 {dimension_numbers = #tpu.dot_dimension_numbers<[1], [0], [0], [1], [0, 0, 1, 1], [], []>, transpose_lhs_hint = false} : vector<1024x64xf32>, vector<64x64xf32>, vector<1024x64xf32> -> vector<1024x64xf32>
    %add3A = arith.addf %dot_general3A_8, %dot_general3A_11 : vector<1024x64xf32>
    %get3A_12 = arith.constant 0 : index
    %get3A_13 = arith.constant 0 : index
    %get3A_14 = vector.load %arg6[%get3A_12, %get3A_13] : memref<1x64xf32, #tpu.memory_space<vmem>>, vector<1x64xf32>
    %add3A_15 = vector.broadcast %get3A_14 : vector<1x64xf32> to vector<1024x64xf32>
    %add3A_16 = arith.addf %add3A, %add3A_15 : vector<1024x64xf32>
    %max3A = arith.constant 0.000000e+00 : f32
    %max3A_17 = vector.broadcast %max3A : f32 to vector<1024x64xf32>
    %max3A_18 = arith.maximumf %add3A_16, %max3A_17 : vector<1024x64xf32>
    %get3A_19 = arith.constant 0 : index
    %get3A_20 = arith.constant 0 : index
    %get3A_21 = vector.load %arg7[%get3A_19, %get3A_20] : memref<64x32xf32, #tpu.memory_space<vmem>>, vector<64x32xf32>
    %dot_general3A_22 = arith.constant dense<0.000000e+00> : vector<1024x32xf32>
    %dot_general3A_23 = tpu.matmul %max3A_18, %get3A_21, %dot_general3A_22 {dimension_numbers = #tpu.dot_dimension_numbers<[1], [0], [0], [1], [0, 0, 1, 1], [], []>, transpose_lhs_hint = false} : vector<1024x64xf32>, vector<64x32xf32>, vector<1024x32xf32> -> vector<1024x32xf32>
    %get3A_24 = arith.constant 0 : index
    %get3A_25 = arith.constant 0 : index
    %get3A_26 = vector.load %arg8[%get3A_24, %get3A_25] : memref<1x32xf32, #tpu.memory_space<vmem>>, vector<1x32xf32>
    %add3A_27 = vector.broadcast %get3A_26 : vector<1x32xf32> to vector<1024x32xf32>
    %add3A_28 = arith.addf %dot_general3A_23, %add3A_27 : vector<1024x32xf32>
    %max3A_29 = arith.constant 0.000000e+00 : f32
    %max3A_30 = vector.broadcast %max3A_29 : f32 to vector<1024x32xf32>
    %max3A_31 = arith.maximumf %add3A_28, %max3A_30 : vector<1024x32xf32>
    %get3A_32 = arith.constant 0 : index
    %get3A_33 = arith.constant 0 : index
    %get3A_34 = vector.load %arg9[%get3A_32, %get3A_33] : memref<32x16xf32, #tpu.memory_space<vmem>>, vector<32x16xf32>
    %dot_general3A_35 = arith.constant dense<0.000000e+00> : vector<1024x16xf32>
    %dot_general3A_36 = tpu.matmul %max3A_31, %get3A_34, %dot_general3A_35 {dimension_numbers = #tpu.dot_dimension_numbers<[1], [0], [0], [1], [0, 0, 1, 1], [], []>, transpose_lhs_hint = false} : vector<1024x32xf32>, vector<32x16xf32>, vector<1024x16xf32> -> vector<1024x16xf32>
    %get3A_37 = arith.constant 0 : index
    %get3A_38 = arith.constant 0 : index
    %get3A_39 = vector.load %arg10[%get3A_37, %get3A_38] : memref<1x16xf32, #tpu.memory_space<vmem>>, vector<1x16xf32>
    %add3A_40 = vector.broadcast %get3A_39 : vector<1x16xf32> to vector<1024x16xf32>
    %add3A_41 = arith.addf %dot_general3A_36, %add3A_40 : vector<1024x16xf32>
    %max3A_42 = arith.constant 0.000000e+00 : f32
    %max3A_43 = vector.broadcast %max3A_42 : f32 to vector<1024x16xf32>
    %max3A_44 = arith.maximumf %add3A_41, %max3A_43 : vector<1024x16xf32>
    %get3A_45 = arith.constant 0 : index
    %get3A_46 = arith.constant 0 : index
    %get3A_47 = vector.load %arg1[%get3A_45, %get3A_46] : memref<1024x16xf32, #tpu.memory_space<vmem>>, vector<1024x16xf32>
    %get3A_48 = arith.constant 0 : index
    %get3A_49 = arith.constant 0 : index
    %get3A_50 = vector.load %arg2[%get3A_48, %get3A_49] : memref<1024x16xf32, #tpu.memory_space<vmem>>, vector<1024x16xf32>
    %mul3A = arith.mulf %get3A_47, %get3A_50 : vector<1024x16xf32>
    %get3A_51 = arith.constant 0 : index
    %get3A_52 = arith.constant 0 : index
    %get3A_53 = vector.load %arg11[%get3A_51, %get3A_52] : memref<32x1xf32, #tpu.memory_space<vmem>>, vector<32x1xf32>
    %slice3A_54 = vector.extract_strided_slice %get3A_53 {offsets = [0, 0], sizes = [16, 1], strides = [1, 1]} : vector<32x1xf32> to vector<16x1xf32>
    %dot_general3A_55 = arith.constant dense<0.000000e+00> : vector<1024x1xf32>
    %dot_general3A_56 = tpu.matmul %mul3A, %slice3A_54, %dot_general3A_55 {dimension_numbers = #tpu.dot_dimension_numbers<[1], [0], [0], [1], [0, 0, 1, 1], [], []>, transpose_lhs_hint = false} : vector<1024x16xf32>, vector<16x1xf32>, vector<1024x1xf32> -> vector<1024x1xf32>
    %slice3A_57 = vector.extract_strided_slice %get3A_53 {offsets = [16, 0], sizes = [16, 1], strides = [1, 1]} : vector<32x1xf32> to vector<16x1xf32>
    %dot_general3A_58 = arith.constant dense<0.000000e+00> : vector<1024x1xf32>
    %dot_general3A_59 = tpu.matmul %max3A_44, %slice3A_57, %dot_general3A_58 {dimension_numbers = #tpu.dot_dimension_numbers<[1], [0], [0], [1], [0, 0, 1, 1], [], []>, transpose_lhs_hint = false} : vector<1024x16xf32>, vector<16x1xf32>, vector<1024x1xf32> -> vector<1024x1xf32>
    %add3A_60 = arith.addf %dot_general3A_56, %dot_general3A_59 : vector<1024x1xf32>
    %get3A_61 = arith.constant 0 : index
    %get3A_62 = arith.constant 0 : index
    %get3A_63 = vector.load %arg12[%get3A_61, %get3A_62] : memref<1x1xf32, #tpu.memory_space<vmem>>, vector<1x1xf32>
    %add3A_64 = vector.broadcast %get3A_63 : vector<1x1xf32> to vector<1024x1xf32>
    %add3A_65 = arith.addf %add3A_60, %add3A_64 : vector<1024x1xf32>
    %swap3A = arith.constant 0 : index
    %swap3A_66 = arith.constant 0 : index
    %swap3A_67 = vector.load %arg13[%swap3A, %swap3A_66] : memref<1024x1xf32, #tpu.memory_space<vmem>>, vector<1024x1xf32>
    tpu.vector_store %arg13[%swap3A, %swap3A_66], %add3A_65 {strides = array<i32>} : memref<1024x1xf32, #tpu.memory_space<vmem>>, vector<1024x1xf32>,
    return
  }
  func.func @transform_0(%arg0: i32) -> (i32, i32) {
    %c0_i32 = arith.constant 0 : i32
    %c0_i32_0 = arith.constant 0 : i32
    return %arg0, %c0_i32 : i32, i32
  }
  func.func @transform_1(%arg0: i32) -> (i32, i32) {
    %c0_i32 = arith.constant 0 : i32
    %c0_i32_0 = arith.constant 0 : i32
    return %arg0, %c0_i32 : i32, i32
  }
  func.func @transform_2(%arg0: i32) -> (i32, i32) {
    %c0_i32 = arith.constant 0 : i32
    %c0_i32_0 = arith.constant 0 : i32
    return %arg0, %c0_i32 : i32, i32
  }
  func.func @transform_3(%arg0: i32) -> (i32, i32) {
    %c0_i32 = arith.constant 0 : i32
    %c0_i32_0 = arith.constant 0 : i32
    return %arg0, %c0_i32 : i32, i32
  }
  func.func @transform_4(%arg0: i32) -> (i32, i32) {
    %c0_i32 = arith.constant 0 : i32
    %c0_i32_0 = arith.constant 0 : i32
    %c0_i32_1 = arith.constant 0 : i32
    return %c0_i32, %c0_i32_0 : i32, i32
  }
  func.func @transform_5(%arg0: i32) -> (i32, i32) {
    %c0_i32 = arith.constant 0 : i32
    %c0_i32_0 = arith.constant 0 : i32
    %c0_i32_1 = arith.constant 0 : i32
    return %c0_i32, %c0_i32_0 : i32, i32
  }
  func.func @transform_6(%arg0: i32) -> (i32, i32) {
    %c0_i32 = arith.constant 0 : i32
    %c0_i32_0 = arith.constant 0 : i32
    %c0_i32_1 = arith.constant 0 : i32
    return %c0_i32, %c0_i32_0 : i32, i32
  }
  func.func @transform_7(%arg0: i32) -> (i32, i32) {
    %c0_i32 = arith.constant 0 : i32
    %c0_i32_0 = arith.constant 0 : i32
    %c0_i32_1 = arith.constant 0 : i32
    return %c0_i32, %c0_i32_0 : i32, i32
  }
  func.func @transform_8(%arg0: i32) -> (i32, i32) {
    %c0_i32 = arith.constant 0 : i32
    %c0_i32_0 = arith.constant 0 : i32
    %c0_i32_1 = arith.constant 0 : i32
    return %c0_i32, %c0_i32_0 : i32, i32
  }
  func.func @transform_9(%arg0: i32) -> (i32, i32) {
    %c0_i32 = arith.constant 0 : i32
    %c0_i32_0 = arith.constant 0 : i32
    %c0_i32_1 = arith.constant 0 : i32
    return %c0_i32, %c0_i32_0 : i32, i32
  }
  func.func @transform_10(%arg0: i32) -> (i32, i32) {
    %c0_i32 = arith.constant 0 : i32
    %c0_i32_0 = arith.constant 0 : i32
    %c0_i32_1 = arith.constant 0 : i32
    return %c0_i32, %c0_i32_0 : i32, i32
  }
  func.func @transform_11(%arg0: i32) -> (i32, i32) {
    %c0_i32 = arith.constant 0 : i32
    %c0_i32_0 = arith.constant 0 : i32
    %c0_i32_1 = arith.constant 0 : i32
    return %c0_i32, %c0_i32_0 : i32, i32
  }
  func.func @transform_12(%arg0: i32) -> (i32, i32) {
    %c0_i32 = arith.constant 0 : i32
    %c0_i32_0 = arith.constant 0 : i32
    return %arg0, %c0_i32 : i32, i32
  }
}

</mosaic_0001>

<sc_bundles>
// kernel: kernel.4.cloned.1.call-start
scs
__scs_entry_jumppad:
0x0: {  	(pc) =	sbr.rel $0x88, $3  }
0x1: {  	(tag) =	ssettag $0x0;
	lr =	simm.s32 $0x1  }
0x2: {  	[smem:$0x3F94] =	sst lr;
	_ =	strace $0xD0000000  }
0x3: {  	_ = 	snop  }
0x4: {  	_ = 	snop  }
0x5: {  	_ = 	snop  }
0x6: {  	_ = 	snop  }
0x7: {  	_ = 	snop  }
__scs_overlays_trampoline_lowered:
0x8: {  	[smem:$0x3FA3] =	sst s0  }
0x9: {  	[smem:$0x3FA4] =	sst s1  }
0xa: {  	[smem:$0x3FA5] =	sst s2  }
0xb: {  	[smem:$0x3FA6] =	sst s3  }
0xc: {  	[smem:$0x3FA7] =	sst s4  }
0xd: {  	[smem:$0x3FA8] =	sst s5  }
0xe: {  	[smem:$0x3FA9] =	sst s6  }
0xf: {  	[smem:$0x3FAA] =	sst s7  }
0x10: {  	[smem:$0x3FAB] =	sst s8  }
0x11: {  	[smem:$0x3FAC] =	sst s9;
	s0 =	simm.s32 @!p0 $0x0  }
0x12: {  	s1 =	sld [smem:$0x3F92];
	s0 =	simm.s32 @p0 $0x1  }
0x13: {  	[smem:$0x3FAD] =	sst s0;
	s0 =	simm.s32 @!p1 $0x0  }
0x14: {  	s2 =	sld [smem:$0x3F91];
	s0 =	simm.s32 @p1 $0x1  }
0x15: {  	[smem:$0x3FAE] =	sst s0;
	s0 =	simm.s32 @!p2 $0x0  }
0x16: {  	s3 =	sld [smem:$0x3FDB];
	s0 =	simm.s32 @p2 $0x1  }
0x17: {  	s4 =	simm.s32 $0x1BF5;
	[smem:$0x3FB0] =	sst s0  }
0x18: {  	s0 =	sld [smem:$0x3F93];
	_ =	swait.ge [sflag:s4], $0x0  }
0x19: {  	s7 =	sld [smem:$0x3F94]  }
0x1a: {  	s8 =	sadd.s32 $0xFFFFE003, lr  }
0x1b: {  	s9 =	sadd.s32 $0xFFFFFEF7, lr;
	s5 =	simm.s32 $0xFFFFFFFF;
	p2 =	slt.u32 s8, $0xFFFFF086  }
0x1c: {  	p1 =	slt.u32 s9, $0xF7A;
	s5 =	simm.s32 @!p2 $0x0  }
0x1d: {  	s5 =	simm.s32 @p1 $0x1;
	p0 =	seq.s32 s7, s2  }
0x1e: {  	s7 =	smul.u32 @!p0 $0xF7A, s2;
	p2 =	seq.s32 @!p0 s5, $0x0  }
0x1f: {  	s9 =	smul.u32 $0xF7A, s1;
	s8 =	simm.s32 @!p0 $0x1BF5;
	p2 =	por !p2, p0  }
0x20: {  	[sflag:s8] =	ssyncset.s32 @!p0 $0xFFFFF086;
	s6 =	sadd.s32 @!p0 s3, s7;
	s7 =	simm.s32 @!p0 $0x108  }
0x21: {  	s3 =	sadd.s32 s3, s9;
	s6 =	sadd.s32 @!p0 $0x88, s6;
	s7 =	simm.s32 @p2 $0x1082  }
0x22: {  	[simem:s7], [sflag:s8] =	dma.local @!p0 [hbm:s6], $0xF7A  }
0x23: {  	s9 =	sor.u32 $0xD0000000, s2;
	s6 =	simm.s32 $0x108;
	_ =	swait.ge @!p0 [sflag:s8], $0x0  }
0x24: {  	s3 =	sadd.s32 $0x88, s3;
	s6 =	simm.s32 @!p1 $0x1082;
	[sflag:s4] =	ssyncset.s32 $0xFFFFF086  }
0x25: {  	[simem:s6], [sflag:s4] =	dma.local [hbm:s3], $0xF7A  }
0x26: {  	[smem:$0x3F94] =	sst s1;
	(tag) =	ssettag s2;
	_ =	strace s9  }
0x27: {  	s1 =	sld [smem:$0x3FA4]  }
0x28: {  	s2 =	sld [smem:$0x3FA5]  }
0x29: {  	s4 =	sld [smem:$0x3FA7]  }
0x2a: {  	p0 =	seq.s32 s5, $0x0;
	s5 =	sld [smem:$0x3FA8]  }
0x2b: {  	s6 =	sld [smem:$0x3FA9]  }
0x2c: {  	s7 =	sld [smem:$0x3FAA]  }
0x2d: {  	s3 =	simm.s32 $0x108;
	s8 =	sld [smem:$0x3FAB]  }
0x2e: {  	s3 =	simm.s32 @!p0 $0x1082;
	s9 =	sld [smem:$0x3FAC]  }
0x2f: {  	lr =	sadd.s32 s0, s3;
	s0 =	sld [smem:$0x3FA3]  }
0x30: {  	s3 =	sld [smem:$0x3FA6]  }
0x31: {  	[smem:$0x3FAF] =	sst s10  }
0x32: {  	s10 =	sld [smem:$0x3FAD];
	_ =	sdelay $0x3  }
0x33: {  	p0 =	seq.s32 s10, $0x1;
	s10 =	sld [smem:$0x3FAF];
	_ =	sdelay $0x3  }
0x34: {  	[smem:$0x3FAF] =	sst s10  }
0x35: {  	s10 =	sld [smem:$0x3FAE];
	_ =	sdelay $0x3  }
0x36: {  	p1 =	seq.s32 s10, $0x1;
	s10 =	sld [smem:$0x3FAF];
	_ =	sdelay $0x3  }
0x37: {  	[smem:$0x3FAF] =	sst s10  }
0x38: {  	s10 =	sld [smem:$0x3FB0]  }
0x39: {  	_ = 	snop;
	(pc) =	sbr.ind lr, $3  }
0x3a: {  	_ = 	snop  }
0x3b: {  	_ = 	snop  }
0x3c: {  	p2 =	seq.s32 s10, $0x1;
	s10 =	sld [smem:$0x3FAF]  }
0x3d: {  	_ =	shalt  }
0x3e: {  	_ =	shalt  }
0x3f: {  	_ =	shalt  }
0x40: {  	_ =	shalt  }
0x41: {  	_ =	shalt  }
0x42: {  	_ =	shalt  }
0x43: {  	_ =	shalt  }
0x44: {  	_ =	shalt  }
0x45: {  	_ =	shalt  }
0x46: {  	_ =	shalt  }
0x47: {  	_ =	shalt  }
0x48: {  	_ =	shalt  }
0x49: {  	_ =	shalt  }
0x4a: {  	_ =	shalt  }
0x4b: {  	_ =	shalt  }
0x4c: {  	_ =	shalt  }
0x4d: {  	_ =	shalt  }
0x4e: {  	_ =	shalt  }
0x4f: {  	_ =	shalt  }
0x50: {  	_ =	shalt  }
0x51: {  	_ =	shalt  }
0x52: {  	_ =	shalt  }
0x53: {  	_ =	shalt  }
0x54: {  	_ =	shalt  }
0x55: {  	_ =	shalt  }
0x56: {  	_ =	shalt  }
0x57: {  	_ =	shalt  }
0x58: {  	_ =	shalt  }
0x59: {  	_ =	shalt  }
0x5a: {  	_ =	shalt  }
0x5b: {  	_ =	shalt  }
0x5c: {  	_ =	shalt  }
0x5d: {  	_ =	shalt  }
0x5e: {  	_ =	shalt  }
0x5f: {  	_ =	shalt  }
0x60: {  	_ =	shalt  }
0x61: {  	_ =	shalt  }
0x62: {  	_ =	shalt  }
0x63: {  	_ =	shalt  }
0x64: {  	_ =	shalt  }
0x65: {  	_ =	shalt  }
0x66: {  	_ =	shalt  }
0x67: {  	_ =	shalt  }
0x68: {  	_ =	shalt  }
0x69: {  	_ =	shalt  }
0x6a: {  	_ =	shalt  }
0x6b: {  	_ =	shalt  }
0x6c: {  	_ =	shalt  }
0x6d: {  	_ =	shalt  }
0x6e: {  	_ =	shalt  }
0x6f: {  	_ =	shalt  }
0x70: {  	_ =	shalt  }
0x71: {  	_ =	shalt  }
0x72: {  	_ =	shalt  }
0x73: {  	_ =	shalt  }
0x74: {  	_ =	shalt  }
0x75: {  	_ =	shalt  }
0x76: {  	_ =	shalt  }
0x77: {  	_ =	shalt  }
0x78: {  	_ =	shalt  }
0x79: {  	_ =	shalt  }
0x7a: {  	_ =	shalt  }
0x7b: {  	_ =	shalt  }
0x7c: {  	_ =	shalt  }
0x7d: {  	_ =	shalt  }
0x7e: {  	_ =	shalt  }
0x7f: {  	_ =	shalt  }
0x80: {  	_ =	shalt  }
0x81: {  	_ =	shalt  }
0x82: {  	_ =	shalt  }
0x83: {  	_ =	shalt  }
0x84: {  	_ =	shalt  }
0x85: {  	_ =	shalt  }
0x86: {  	_ =	shalt  }
0x87: {  	_ =	shalt  }
.Lfunc_end0:
.L_simem_size_0:
called_computation_lowered:
.L_overlay_start_0:
0x88: {  	s2 =	sld [smem:$0x3FD9]  }
0x89: {  	s3 =	sld [smem:$0x3FFE];
	_ =	sdelay $0x1  }
0x8a: {  	s1 =	srdreg.scid  }
0x8b: {  	s0 =	sand.u32 $0x1, s1  }
0x8c: {  	s17 =	sshll.u32 s0, $0xA;
	s2 =	sadd.s32 s3, s2  }
0x8d: {  	s2 =	sadd.s32 s2, s17  }
0x8e: {  	[smem:$0x3FBB] =	sst s2  }
0x8f: {  	_ = 	snop  }
0x90: {  	s2 =	sld [smem:$0x3FD0];
	(tm) =	ssettm $0x1  }
0x91: {  	s18 =	sld [smem:$0x3FFB];
	_ =	sdelay $0x3  }
0x92: {  	_ =	strace s18  }
0x93: {  	s3 =	sld [smem:$0x3FFC];
	_ =	sdelay $0x3  }
0x94: {  	_ =	strace s3  }
0x95: {  	s3 =	sld [smem:$0x3FFD];
	_ =	sdelay $0x3  }
0x96: {  	_ =	strace s3  }
0x97: {  	_ =	strace $0x8FFFFFFF  }
0x98: {  	s19 =	sld [smem:$0x3FDB];
	_ =	sdelay $0x1  }
0x99: {  	s4 =	simm.s32 $_scs_section_size  }
0x9a: {  	s5 =	simm.s32 $_size__tile_overlayer_lowered;
	s6 =	simm.s32 $_tile_overlayer_lowered  }
0x9b: {  	s22 =	simm.s32 $0x1BFF;
	s21 =	sshll.u32 s6, $0x1;
	s3 =	sadd.s32 s4, s19  }
0x9c: {  	s7 =	simm.s32 $0x0;
	s20 =	sshll.u32 s5, $0x1;
	s5 =	sadd.s32 s21, s3  }
0x9d: {  	[timem:s7], [sflag:s22] =	dma.local [hbm:s5], s20  }
0x9e: {  	_ =	swait.ge [sflag:s22], s20  }
0x9f: {  	s4 =	ssub.s32 $0x0, s20;
	[sflag:s22] =	ssyncset.done $0x0  }
0xa0: {  	[sflag:s22] =	ssyncadd.s32 s4;
	_ =	sdelay $0x1  }
0xa1: {  	s23 =	simm.s32 $0x1B8B  }
0xa2: {  	_ =	swait.ge [sflag:s23], $0x1  }
0xa3: {  	[sflag:s23] =	ssyncset.done $0x0  }
0xa4: {  	s25 =	simm.s32 $0x1B8E;
	s24 =	sld [smem:$0x3FFE];
	[sflag:s23] =	ssyncadd.s32 $0xFFFFFFFF  }
0xa5: {  	s26 =	simm.s32 $execute0_lowered;
	[smem:$0x3FD2] =	sst s25  }
0xa6: {  	s5 =	sshll.u32 s26, $0x1;
	_ =	strace $0x80000046;
	[dreg:$0x1] =	wrdreg $0xFFFFFFFF  }
0xa7: {  	s28 =	simm.s32 $_size_execute0_lowered;
	s3 =	sadd.s32 s3, s5;
	[dreg:$0x0] =	wrdreg $0x0  }
0xa8: {  	s5 =	sshll.u32 s28, $0x1;
	[dreg:$0x2] =	wrdreg s3  }
0xa9: {  	[dreg:$0x3] =	wrdreg s5  }
0xaa: {  	[dreg:$0x4] =	wrdreg $0xC0  }
0xab: {  	_ =	task [dreg:s7], $0x5FFFF  }
0xac: {  	[dreg:$0x1] =	wrdreg $0xFFFFFFFF  }
0xad: {  	[dreg:$0x0] =	wrdreg $0x60  }
0xae: {  	[dreg:$0x2] =	wrdreg s24  }
0xaf: {  	[dreg:$0x3] =	wrdreg s2  }
0xb0: {  	[dreg:$0x4] =	wrdreg $0x9  }
0xb1: {  	_ =	task.clear_ibuf [dreg:s7], $0x5FFFF;
	_ =	strace $0x90000046  }
0xb2: {  	s29 =	simm.s32 $0x9;
	_ =	strace $0x80000048  }
0xb3: {  	_ =	swait.ge [sflag:s29], $0x1  }
0xb4: {  	[sflag:s29] =	ssyncadd.s32 $0xFFFFFFFF  }
0xb5: {  	_ =	strace $0x90000048  }
0xb6: {  	_ =	sfence  }
0xb7: {  	s30 =	sld [smem:$0x0];
	_ =	sdelay $0x2  }
0xb8: {  	s31 =	sshll.u32 s1, $0xD;
	s1 =	sshrl.u32 s1, $0x2  }
0xb9: {  	s3 =	sand.u32 $0x4000, s31;
	s1 =	sadd.s32 s1, s30  }
0xba: {  	s0 =	sor.u32 s3, s0;
	s1 =	sshll.u32 s1, $0x11  }
0xbb: {  	s0 =	sor.u32 s1, s0  }
0xbc: {  	s0 =	sadd.s32 $0x8F2B, s0  }
0xbd: {  	[sflag:s0] =	ssyncadd.remote.s32 $0x1  }
0xbe: {  	_ =	sfence.sel $0xFFFF  }
0xbf: {  	[dreg:$0x0] =	wrdreg $0xFFFFFFFF;
	(pc) =	sbr.abs _section_cstart, $3  }
0xc0: {  	[dreg:$0x1] =	wrdreg $0xFFFFFFFF  }
0xc1: {  	_ =	task.clear_ibuf [dreg:s7], $0x2FFFF;
	_ =	strace $0x9FFFFFFF  }
0xc2: {  	(tm) =	ssettm $0x7FFFFFFF  }
0xc3: {  	_ =	shalt  }
tec
execute0_lowered:
.L_overlay_start_1:
0x0: {  	(tag) =	ssettag $0x1  }
0x1: {  	s0 =	rddreg [dreg:$0x0]  }
0x2: {  	s1 =	rddreg [dreg:$0x1]  }
0x3: {  	s3 =	srdreg.scid;
	s4 =	stileid.u32  }
0x4: {  	s2 =	simm.s32 $0x0;
	s14 =	simm.s32 $0x200;
	s13 =	simm.s32 $0x80  }
0x5: {  	s15 =	simm.s32 $0x280;
	s18 =	simm.s32 $0x2C00;
	s19 =	simm.s32 $0x6400  }
0x6: {  	s20 =	simm.s32 $0xE400;
	s16 =	simm.s32 $0x100;
	s22 =	simm.s32 $0x1400  }
0x7: {  	s17 =	simm.s32 $0x300;
	s23 =	simm.s32 $0x3400;
	s21 =	simm.s32 $0x180  }
0x8: {  	p0 =	por $0x0, $0x0;
	s28 =	simm.s32 $0x1C00;
	s29 =	simm.s32 $0x3C00  }
0x9: {  	s30 =	simm.s32 $0xA400;
	s31 =	simm.s32 $0x12400;
	s3 =	sand.u32 $0x1, s3  }
0xa: {  	s4 =	sshll.u32 s4, $0x1;
	s8 =	sadd.s32 $0x206EA00, s0;
	s9 =	sadd.s32 $0x1E86400, s0  }
0xb: {  	[smem:$0x7FF] =	sst s2;
	s11 =	sadd.s32 $0x16E5200, s0;
	s12 =	sadd.s32 $0xF44000, s0  }
0xc: {  	s4 =	sor.u32 s3, s4;
	_ =	strace $0x80000047;
	s3 =	ssub.s32 $0x2, s3  }
0xd: {  	s5 =	sshll.u32 s4, $0x6;
	s7 =	sshll.u32 s4, $0xA;
	s4 =	sshll.u32 s4, $0xC  }
0xe: {  	s26 =	sshrl.u32 s3, $0x1;
	s6 =	sadd.s32 s5, s0;
	s7 =	sadd.s32 s7, s0  }
0xf: {  	s1 =	sadd.s32 s1, s5;
	s4 =	sadd.s32 s4, s0;
	s3 =	ssub.s32 s3, s26  }
0x10: {  	s26 =	simm.s32 $0xC00;
	s5 =	simm.s32 $0x4400;
	[dreg:$0x4] =	wrdreg s1  }
0x11: {  	s6 =	sadd.s32 $0x1400, s6;
	s24 =	sadd.s32 $0x49C00, s7;
	[dreg:$0x9] =	wrdreg s26  }
0x12: {  	s25 =	sadd.s32 $0x41C00, s7;
	s10 =	smax.u32 s3, $0x1;
	[dreg:$0x3] =	wrdreg s6  }
0x13: {  	s7 =	sadd.s32 $0x1C00, s4;
	[dreg:$0x5] =	wrdreg s24;
	p1 =	sne.s32 s10, $0x1  }
.Ltmp0:
0x14: {  	s3 =	simm.s32 $0x2;
	[dreg:$0x6] =	wrdreg s25;
	(pc) =	sbr.rel @!p1 .LBB2_3-.Ltmp0, $4  }
0x15: {  	s26 =	simm.s32 $0x380;
	s6 =	sadd.s32 $0x21C00, s4;
	[dreg:$0x8] =	wrdreg s7  }
0x16: {  	s7 =	simm.s32 $0x400;
	s4 =	simm.s32 $0xC400;
	s24 =	simm.s32 $0x8400  }
0x17: {  	s25 =	simm.s32 $0x10400;
	s0 =	sadd.s32 $0xFFFFFFFF, s10;
	[dreg:$0x7] =	wrdreg s6  }
0x18: {  	s10 =	simm.s32 $0x1;
	s6 =	simm.s32 $0x2400;
	s1 =	rddreg [dreg:$0x3]  }
0x19: {  	[tilespmem:s2], [sflag:$0x2] =	stream.linear.gather [hbm4b:s1+s2], $0x200, $0x38;
	[tilespmem:$0x14400] =	vst v63  }
0x1a: {  	_ =	swait.ge [sflag:s3], $0x200  }
0x1b: {  	[sflag:s3] =	ssyncset.done $0x0  }
0x1c: {  	s1 =	rddreg [dreg:$0x4];
	[sflag:s3] =	ssyncadd.s32 $0xFFFFFE00  }
0x1d: {  	[tilespmem:s14], [sflag:$0x2] =	stream.linear.gather [hbm4b:s1+s2], $0x200, $0x38;
	[tilespmem:$0x14400] =	vst v63  }
0x1e: {  	_ =	swait.ge [sflag:s3], $0x200  }
0x1f: {  	[sflag:s3] =	ssyncset.done $0x0  }
0x20: {  	[sflag:s3] =	ssyncadd.s32 $0xFFFFFE00  }
0x21: {  	[tilespmem:s7], [sflag:$0x1] =	stream.indirect.gather [hbm4b:s8+s13], $0x10, s2, s13, $0xb8;
	[tilespmem:$0x14400] =	vst v63  }
0x22: {  	_ = 	snop  }
0x23: {  	[tilespmem:s6], [sflag:$0x1] =	stream.indirect.gather [hbm4b:s9+s13], $0x10, s14, s13, $0xb8;
	[tilespmem:$0x14400] =	vst v63  }
0x24: {  	_ = 	snop  }
0x25: {  	[tilespmem:s5], [sflag:$0x1] =	stream.indirect.gather [hbm4b:s11+s13], $0x40, s2, s13, $0xb8;
	[tilespmem:$0x14400] =	vst v63  }
0x26: {  	_ = 	snop  }
0x27: {  	[tilespmem:s4], [sflag:$0x1] =	stream.indirect.gather [hbm4b:s12+s13], $0x40, s14, s13, $0xb8;
	[tilespmem:$0x14400] =	vst v63  }
0x28: {  	s1 =	rddreg [dreg:$0x9]  }
0x29: {  	[tilespmem:s1], [sflag:$0x1] =	stream.indirect.gather [hbm4b:s8+s13], $0x10, s13, s13, $0xb8;
	[tilespmem:$0x14400] =	vst v63  }
0x2a: {  	_ = 	snop  }
0x2b: {  	[tilespmem:s18], [sflag:$0x1] =	stream.indirect.gather [hbm4b:s9+s13], $0x10, s15, s13, $0xb8;
	[tilespmem:$0x14400] =	vst v63  }
0x2c: {  	_ = 	snop  }
0x2d: {  	[tilespmem:s19], [sflag:$0x1] =	stream.indirect.gather [hbm4b:s11+s13], $0x40, s13, s13, $0xb8;
	[tilespmem:$0x14400] =	vst v63  }
0x2e: {  	_ = 	snop  }
0x2f: {  	[tilespmem:s20], [sflag:$0x1] =	stream.indirect.gather [hbm4b:s12+s13], $0x40, s15, s13, $0xb8;
	[tilespmem:$0x14400] =	vst v63  }
0x30: {  	_ = 	snop  }
0x31: {  	[tilespmem:s22], [sflag:$0x1] =	stream.indirect.gather [hbm4b:s8+s13], $0x10, s16, s13, $0xb8;
	[tilespmem:$0x14400] =	vst v63  }
0x32: {  	_ = 	snop  }
0x33: {  	[tilespmem:s23], [sflag:$0x1] =	stream.indirect.gather [hbm4b:s9+s13], $0x10, s17, s13, $0xb8;
	[tilespmem:$0x14400] =	vst v63  }
0x34: {  	_ = 	snop  }
0x35: {  	[tilespmem:s24], [sflag:$0x1] =	stream.indirect.gather [hbm4b:s11+s13], $0x40, s16, s13, $0xb8;
	[tilespmem:$0x14400] =	vst v63  }
0x36: {  	_ = 	snop  }
0x37: {  	[tilespmem:s25], [sflag:$0x1] =	stream.indirect.gather [hbm4b:s12+s13], $0x40, s17, s13, $0xb8;
	[tilespmem:$0x14400] =	vst v63  }
0x38: {  	_ = 	snop  }
0x39: {  	[tilespmem:s28], [sflag:$0x1] =	stream.indirect.gather [hbm4b:s8+s13], $0x10, s21, s13, $0xb8;
	[tilespmem:$0x14400] =	vst v63  }
0x3a: {  	_ = 	snop  }
0x3b: {  	[tilespmem:s29], [sflag:$0x1] =	stream.indirect.gather [hbm4b:s9+s13], $0x10, s26, s13, $0xb8;
	[tilespmem:$0x14400] =	vst v63  }
0x3c: {  	_ = 	snop  }
0x3d: {  	[tilespmem:s30], [sflag:$0x1] =	stream.indirect.gather [hbm4b:s11+s13], $0x40, s21, s13, $0xb8;
	[tilespmem:$0x14400] =	vst v63  }
0x3e: {  	_ = 	snop  }
0x3f: {  	[tilespmem:s31], [sflag:$0x1] =	stream.indirect.gather [hbm4b:s12+s13], $0x40, s26, s13, $0xb8;
	[tilespmem:$0x14400] =	vst v63  }
0x40: {  	_ =	swait.ge [sflag:s10], $0x800  }
0x41: {  	[sflag:s10] =	ssyncset.done $0x0  }
0x42: {  	[sflag:s10] =	ssyncadd.s32 $0xFFFFF800  }
0x43: {  	_ =	swait.ge [sflag:s10], $0x800  }
0x44: {  	[sflag:s10] =	ssyncset.done $0x0  }
0x45: {  	[sflag:s10] =	ssyncadd.s32 $0xFFFFF800  }
0x46: {  	_ =	swait.ge [sflag:s10], $0x2000  }
0x47: {  	[sflag:s10] =	ssyncset.done $0x0  }
0x48: {  	[sflag:s10] =	ssyncadd.s32 $0xFFFFE000  }
0x49: {  	_ =	swait.ge [sflag:s10], $0x2000  }
0x4a: {  	[sflag:s10] =	ssyncset.done $0x0  }
0x4b: {  	[sflag:s10] =	ssyncadd.s32 $0xFFFFE000  }
0x4c: {  	_ =	swait.ge [sflag:s10], $0x800  }
0x4d: {  	[sflag:s10] =	ssyncset.done $0x0  }
0x4e: {  	[sflag:s10] =	ssyncadd.s32 $0xFFFFF800  }
0x4f: {  	_ =	swait.ge [sflag:s10], $0x800  }
0x50: {  	[sflag:s10] =	ssyncset.done $0x0  }
0x51: {  	[sflag:s10] =	ssyncadd.s32 $0xFFFFF800  }
0x52: {  	_ =	swait.ge [sflag:s10], $0x2000  }
0x53: {  	[sflag:s10] =	ssyncset.done $0x0  }
0x54: {  	[sflag:s10] =	ssyncadd.s32 $0xFFFFE000  }
0x55: {  	_ =	swait.ge [sflag:s10], $0x2000  }
0x56: {  	[sflag:s10] =	ssyncset.done $0x0  }
0x57: {  	[sflag:s10] =	ssyncadd.s32 $0xFFFFE000  }
0x58: {  	_ =	swait.ge [sflag:s10], $0x800  }
0x59: {  	[sflag:s10] =	ssyncset.done $0x0  }
0x5a: {  	[sflag:s10] =	ssyncadd.s32 $0xFFFFF800  }
0x5b: {  	_ =	swait.ge [sflag:s10], $0x800  }
0x5c: {  	[sflag:s10] =	ssyncset.done $0x0  }
0x5d: {  	[sflag:s10] =	ssyncadd.s32 $0xFFFFF800  }
0x5e: {  	_ =	swait.ge [sflag:s10], $0x2000  }
0x5f: {  	[sflag:s10] =	ssyncset.done $0x0  }
0x60: {  	[sflag:s10] =	ssyncadd.s32 $0xFFFFE000  }
0x61: {  	_ =	swait.ge [sflag:s10], $0x2000  }
0x62: {  	[sflag:s10] =	ssyncset.done $0x0  }
0x63: {  	[sflag:s10] =	ssyncadd.s32 $0xFFFFE000  }
0x64: {  	_ =	swait.ge [sflag:s10], $0x800  }
0x65: {  	[sflag:s10] =	ssyncset.done $0x0  }
0x66: {  	[sflag:s10] =	ssyncadd.s32 $0xFFFFF800  }
0x67: {  	_ =	swait.ge [sflag:s10], $0x800  }
0x68: {  	[sflag:s10] =	ssyncset.done $0x0  }
0x69: {  	[sflag:s10] =	ssyncadd.s32 $0xFFFFF800  }
0x6a: {  	_ =	swait.ge [sflag:s10], $0x2000  }
0x6b: {  	[sflag:s10] =	ssyncset.done $0x0  }
0x6c: {  	[sflag:s10] =	ssyncadd.s32 $0xFFFFE000  }
0x6d: {  	_ =	swait.ge [sflag:s10], $0x2000  }
0x6e: {  	[sflag:s10] =	ssyncset.done $0x0  }
0x6f: {  	s1 =	rddreg [dreg:$0x5];
	[sflag:s10] =	ssyncadd.s32 $0xFFFFE000  }
0x70: {  	[hbm4b:s1+s2] =	stream.linear.scatter [tilespmem:s7], [sflag:$0x2], $0x2000, $0x38;
	[tilespmem:$0x14400] =	vst v63  }
0x71: {  	_ =	swait.ge [sflag:s3], $0x2000  }
0x72: {  	[sflag:s3] =	ssyncset.done $0x0  }
0x73: {  	s1 =	rddreg [dreg:$0x6];
	[sflag:s3] =	ssyncadd.s32 $0xFFFFE000  }
0x74: {  	[hbm4b:s1+s2] =	stream.linear.scatter [tilespmem:s6], [sflag:$0x2], $0x2000, $0x38;
	[tilespmem:$0x14400] =	vst v63  }
0x75: {  	_ =	swait.ge [sflag:s3], $0x2000  }
0x76: {  	[sflag:s3] =	ssyncset.done $0x0  }
0x77: {  	s1 =	rddreg [dreg:$0x7];
	[sflag:s3] =	ssyncadd.s32 $0xFFFFE000  }
0x78: {  	[hbm4b:s1+s2] =	stream.linear.scatter [tilespmem:s5], [sflag:$0x2], $0x8000, $0x38;
	[tilespmem:$0x14400] =	vst v63  }
0x79: {  	p1 =	sne.s32 s0, $0x1;
	_ =	swait.ge [sflag:s3], $0x8000  }
.Ltmp1:
0x7a: {  	[sflag:s3] =	ssyncset.done $0x0;
	(pc) =	sbr.rel @!p1 .LBB2_3-.Ltmp1, $4  }
0x7b: {  	s1 =	rddreg [dreg:$0x8];
	[sflag:s3] =	ssyncadd.s32 $0xFFFF8000  }
0x7c: {  	[hbm4b:s1+s2] =	stream.linear.scatter [tilespmem:s4], [sflag:$0x2], $0x8000, $0x38;
	[tilespmem:$0x14400] =	vst v63  }
0x7d: {  	s0 =	sadd.s32 $0xFFFFFFFF, s0;
	_ =	swait.ge [sflag:s3], $0x8000  }
0x7e: {  	p0 =	por $0x1, $0x1;
	s1 =	rddreg [dreg:$0x3];
	[sflag:s3] =	ssyncset.done $0x0  }
.LBB2_2:
0x7f: {  	[sflag:s3] =	ssyncadd.s32 $0xFFFF8000  }
0x80: {  	[tilespmem:s2], [sflag:$0x2] =	stream.linear.gather [hbm4b:s1+s2], $0x200, $0x38;
	[tilespmem:$0x14400] =	vst v63  }
0x81: {  	_ =	swait.ge [sflag:s3], $0x200  }
0x82: {  	[sflag:s3] =	ssyncset.done $0x0  }
0x83: {  	s1 =	rddreg [dreg:$0x4];
	[sflag:s3] =	ssyncadd.s32 $0xFFFFFE00  }
0x84: {  	[tilespmem:s14], [sflag:$0x2] =	stream.linear.gather [hbm4b:s1+s2], $0x200, $0x38;
	[tilespmem:$0x14400] =	vst v63  }
0x85: {  	_ =	swait.ge [sflag:s3], $0x200  }
0x86: {  	[sflag:s3] =	ssyncset.done $0x0  }
0x87: {  	[sflag:s3] =	ssyncadd.s32 $0xFFFFFE00  }
0x88: {  	[tilespmem:s7], [sflag:$0x1] =	stream.indirect.gather [hbm4b:s8+s13], $0x10, s2, s13, $0xb8;
	[tilespmem:$0x14400] =	vst v63  }
0x89: {  	_ = 	snop  }
0x8a: {  	[tilespmem:s6], [sflag:$0x1] =	stream.indirect.gather [hbm4b:s9+s13], $0x10, s14, s13, $0xb8;
	[tilespmem:$0x14400] =	vst v63  }
0x8b: {  	_ = 	snop  }
0x8c: {  	[tilespmem:s5], [sflag:$0x1] =	stream.indirect.gather [hbm4b:s11+s13], $0x40, s2, s13, $0xb8;
	[tilespmem:$0x14400] =	vst v63  }
0x8d: {  	_ = 	snop  }
0x8e: {  	[tilespmem:s4], [sflag:$0x1] =	stream.indirect.gather [hbm4b:s12+s13], $0x40, s14, s13, $0xb8;
	[tilespmem:$0x14400] =	vst v63  }
0x8f: {  	s1 =	rddreg [dreg:$0x9]  }
0x90: {  	[tilespmem:s1], [sflag:$0x1] =	stream.indirect.gather [hbm4b:s8+s13], $0x10, s13, s13, $0xb8;
	[tilespmem:$0x14400] =	vst v63  }
0x91: {  	_ = 	snop  }
0x92: {  	[tilespmem:s18], [sflag:$0x1] =	stream.indirect.gather [hbm4b:s9+s13], $0x10, s15, s13, $0xb8;
	[tilespmem:$0x14400] =	vst v63  }
0x93: {  	_ = 	snop  }
0x94: {  	[tilespmem:s19], [sflag:$0x1] =	stream.indirect.gather [hbm4b:s11+s13], $0x40, s13, s13, $0xb8;
	[tilespmem:$0x14400] =	vst v63  }
0x95: {  	_ = 	snop  }
0x96: {  	[tilespmem:s20], [sflag:$0x1] =	stream.indirect.gather [hbm4b:s12+s13], $0x40, s15, s13, $0xb8;
	[tilespmem:$0x14400] =	vst v63  }
0x97: {  	_ = 	snop  }
0x98: {  	[tilespmem:s22], [sflag:$0x1] =	stream.indirect.gather [hbm4b:s8+s13], $0x10, s16, s13, $0xb8;
	[tilespmem:$0x14400] =	vst v63  }
0x99: {  	_ = 	snop  }
0x9a: {  	[tilespmem:s23], [sflag:$0x1] =	stream.indirect.gather [hbm4b:s9+s13], $0x10, s17, s13, $0xb8;
	[tilespmem:$0x14400] =	vst v63  }
0x9b: {  	_ = 	snop  }
0x9c: {  	[tilespmem:s24], [sflag:$0x1] =	stream.indirect.gather [hbm4b:s11+s13], $0x40, s16, s13, $0xb8;
	[tilespmem:$0x14400] =	vst v63  }
0x9d: {  	_ = 	snop  }
0x9e: {  	[tilespmem:s25], [sflag:$0x1] =	stream.indirect.gather [hbm4b:s12+s13], $0x40, s17, s13, $0xb8;
	[tilespmem:$0x14400] =	vst v63  }
0x9f: {  	_ = 	snop  }
0xa0: {  	[tilespmem:s28], [sflag:$0x1] =	stream.indirect.gather [hbm4b:s8+s13], $0x10, s21, s13, $0xb8;
	[tilespmem:$0x14400] =	vst v63  }
0xa1: {  	_ = 	snop  }
0xa2: {  	[tilespmem:s29], [sflag:$0x1] =	stream.indirect.gather [hbm4b:s9+s13], $0x10, s26, s13, $0xb8;
	[tilespmem:$0x14400] =	vst v63  }
0xa3: {  	_ = 	snop  }
0xa4: {  	[tilespmem:s30], [sflag:$0x1] =	stream.indirect.gather [hbm4b:s11+s13], $0x40, s21, s13, $0xb8;
	[tilespmem:$0x14400] =	vst v63  }
0xa5: {  	_ = 	snop  }
0xa6: {  	[tilespmem:s31], [sflag:$0x1] =	stream.indirect.gather [hbm4b:s12+s13], $0x40, s26, s13, $0xb8;
	[tilespmem:$0x14400] =	vst v63  }
0xa7: {  	_ =	swait.ge [sflag:s10], $0x800  }
0xa8: {  	[sflag:s10] =	ssyncset.done $0x0  }
0xa9: {  	[sflag:s10] =	ssyncadd.s32 $0xFFFFF800  }
0xaa: {  	_ =	swait.ge [sflag:s10], $0x800  }
0xab: {  	[sflag:s10] =	ssyncset.done $0x0  }
0xac: {  	[sflag:s10] =	ssyncadd.s32 $0xFFFFF800  }
0xad: {  	_ =	swait.ge [sflag:s10], $0x2000  }
0xae: {  	[sflag:s10] =	ssyncset.done $0x0  }
0xaf: {  	[sflag:s10] =	ssyncadd.s32 $0xFFFFE000  }
0xb0: {  	_ =	swait.ge [sflag:s10], $0x2000  }
0xb1: {  	[sflag:s10] =	ssyncset.done $0x0  }
0xb2: {  	[sflag:s10] =	ssyncadd.s32 $0xFFFFE000  }
0xb3: {  	_ =	swait.ge [sflag:s10], $0x800  }
0xb4: {  	[sflag:s10] =	ssyncset.done $0x0  }
0xb5: {  	[sflag:s10] =	ssyncadd.s32 $0xFFFFF800  }
0xb6: {  	_ =	swait.ge [sflag:s10], $0x800  }
0xb7: {  	[sflag:s10] =	ssyncset.done $0x0  }
0xb8: {  	[sflag:s10] =	ssyncadd.s32 $0xFFFFF800  }
0xb9: {  	_ =	swait.ge [sflag:s10], $0x2000  }
0xba: {  	[sflag:s10] =	ssyncset.done $0x0  }
0xbb: {  	[sflag:s10] =	ssyncadd.s32 $0xFFFFE000  }
0xbc: {  	_ =	swait.ge [sflag:s10], $0x2000  }
0xbd: {  	[sflag:s10] =	ssyncset.done $0x0  }
0xbe: {  	[sflag:s10] =	ssyncadd.s32 $0xFFFFE000  }
0xbf: {  	_ =	swait.ge [sflag:s10], $0x800  }
0xc0: {  	[sflag:s10] =	ssyncset.done $0x0  }
0xc1: {  	[sflag:s10] =	ssyncadd.s32 $0xFFFFF800  }
0xc2: {  	_ =	swait.ge [sflag:s10], $0x800  }
0xc3: {  	[sflag:s10] =	ssyncset.done $0x0  }
0xc4: {  	[sflag:s10] =	ssyncadd.s32 $0xFFFFF800  }
0xc5: {  	_ =	swait.ge [sflag:s10], $0x2000  }
0xc6: {  	[sflag:s10] =	ssyncset.done $0x0  }
0xc7: {  	[sflag:s10] =	ssyncadd.s32 $0xFFFFE000  }
0xc8: {  	_ =	swait.ge [sflag:s10], $0x2000  }
0xc9: {  	[sflag:s10] =	ssyncset.done $0x0  }
0xca: {  	[sflag:s10] =	ssyncadd.s32 $0xFFFFE000  }
0xcb: {  	_ =	swait.ge [sflag:s10], $0x800  }
0xcc: {  	[sflag:s10] =	ssyncset.done $0x0  }
0xcd: {  	[sflag:s10] =	ssyncadd.s32 $0xFFFFF800  }
0xce: {  	_ =	swait.ge [sflag:s10], $0x800  }
0xcf: {  	[sflag:s10] =	ssyncset.done $0x0  }
0xd0: {  	[sflag:s10] =	ssyncadd.s32 $0xFFFFF800  }
0xd1: {  	_ =	swait.ge [sflag:s10], $0x2000  }
0xd2: {  	[sflag:s10] =	ssyncset.done $0x0  }
0xd3: {  	[sflag:s10] =	ssyncadd.s32 $0xFFFFE000  }
0xd4: {  	_ =	swait.ge [sflag:s10], $0x2000  }
0xd5: {  	[sflag:s10] =	ssyncset.done $0x0  }
0xd6: {  	s1 =	rddreg [dreg:$0x5];
	[sflag:s10] =	ssyncadd.s32 $0xFFFFE000  }
0xd7: {  	[hbm4b:s1+s2] =	stream.linear.scatter [tilespmem:s7], [sflag:$0x2], $0x2000, $0x38;
	[tilespmem:$0x14400] =	vst v63  }
0xd8: {  	_ =	swait.ge [sflag:s3], $0x2000  }
0xd9: {  	[sflag:s3] =	ssyncset.done $0x0  }
0xda: {  	s1 =	rddreg [dreg:$0x6];
	[sflag:s3] =	ssyncadd.s32 $0xFFFFE000  }
0xdb: {  	[hbm4b:s1+s2] =	stream.linear.scatter [tilespmem:s6], [sflag:$0x2], $0x2000, $0x38;
	[tilespmem:$0x14400] =	vst v63  }
0xdc: {  	_ =	swait.ge [sflag:s3], $0x2000  }
0xdd: {  	[sflag:s3] =	ssyncset.done $0x0  }
0xde: {  	s1 =	rddreg [dreg:$0x7];
	[sflag:s3] =	ssyncadd.s32 $0xFFFFE000  }
0xdf: {  	[hbm4b:s1+s2] =	stream.linear.scatter [tilespmem:s5], [sflag:$0x2], $0x8000, $0x38;
	[tilespmem:$0x14400] =	vst v63  }
0xe0: {  	p1 =	sne.s32 s0, $0x1;
	_ =	swait.ge [sflag:s3], $0x8000  }
.Ltmp2:
0xe1: {  	[sflag:s3] =	ssyncset.done $0x0;
	(pc) =	sbr.rel @p1 .LBB2_2-.Ltmp2, $4  }
0xe2: {  	s1 =	rddreg [dreg:$0x8];
	[sflag:s3] =	ssyncadd.s32 $0xFFFF8000  }
0xe3: {  	[hbm4b:s1+s2] =	stream.linear.scatter [tilespmem:s4], [sflag:$0x2], $0x8000, $0x38;
	[tilespmem:$0x14400] =	vst v63  }
0xe4: {  	_ =	swait.ge [sflag:s3], $0x8000  }
0xe5: {  	s0 =	sadd.s32 $0xFFFFFFFF, s0;
	s1 =	rddreg [dreg:$0x3];
	[sflag:s3] =	ssyncset.done $0x0  }
.LBB2_3:
0xe6: {  	[sflag:s3] =	ssyncadd.s32 @p0 $0xFFFF8000  }
0xe7: {  	[tilespmem:s2], [sflag:$0x2] =	stream.linear.gather [hbm4b:s1+s2], $0x200, $0x38;
	[tilespmem:$0x14400] =	vst v63  }
0xe8: {  	_ =	swait.ge [sflag:s3], $0x200  }
0xe9: {  	[sflag:s3] =	ssyncset.done $0x0  }
0xea: {  	s0 =	rddreg [dreg:$0x4];
	[sflag:s3] =	ssyncadd.s32 $0xFFFFFE00  }
0xeb: {  	[tilespmem:s14], [sflag:$0x2] =	stream.linear.gather [hbm4b:s0+s2], $0x200, $0x38;
	[tilespmem:$0x14400] =	vst v63  }
0xec: {  	_ =	swait.ge [sflag:s3], $0x200  }
0xed: {  	[sflag:s3] =	ssyncset.done $0x0  }
0xee: {  	[sflag:s3] =	ssyncadd.s32 $0xFFFFFE00  }
0xef: {  	[tilespmem:s7], [sflag:$0x1] =	stream.indirect.gather [hbm4b:s8+s13], $0x10, s2, s13, $0xb8;
	[tilespmem:$0x14400] =	vst v63  }
0xf0: {  	_ = 	snop  }
0xf1: {  	[tilespmem:s6], [sflag:$0x1] =	stream.indirect.gather [hbm4b:s9+s13], $0x10, s14, s13, $0xb8;
	[tilespmem:$0x14400] =	vst v63  }
0xf2: {  	_ = 	snop  }
0xf3: {  	[tilespmem:s5], [sflag:$0x1] =	stream.indirect.gather [hbm4b:s11+s13], $0x40, s2, s13, $0xb8;
	[tilespmem:$0x14400] =	vst v63  }
0xf4: {  	_ = 	snop  }
0xf5: {  	[tilespmem:s4], [sflag:$0x1] =	stream.indirect.gather [hbm4b:s12+s13], $0x40, s14, s13, $0xb8;
	[tilespmem:$0x14400] =	vst v63  }
0xf6: {  	s1 =	rddreg [dreg:$0x9]  }
0xf7: {  	[tilespmem:s1], [sflag:$0x1] =	stream.indirect.gather [hbm4b:s8+s13], $0x10, s13, s13, $0xb8;
	[tilespmem:$0x14400] =	vst v63  }
0xf8: {  	_ = 	snop  }
0xf9: {  	[tilespmem:s18], [sflag:$0x1] =	stream.indirect.gather [hbm4b:s9+s13], $0x10, s15, s13, $0xb8;
	[tilespmem:$0x14400] =	vst v63  }
0xfa: {  	_ = 	snop  }
0xfb: {  	[tilespmem:s19], [sflag:$0x1] =	stream.indirect.gather [hbm4b:s11+s13], $0x40, s13, s13, $0xb8;
	[tilespmem:$0x14400] =	vst v63  }
0xfc: {  	_ = 	snop  }
0xfd: {  	[tilespmem:s20], [sflag:$0x1] =	stream.indirect.gather [hbm4b:s12+s13], $0x40, s15, s13, $0xb8;
	[tilespmem:$0x14400] =	vst v63  }
0xfe: {  	_ = 	snop  }
0xff: {  	[tilespmem:s22], [sflag:$0x1] =	stream.indirect.gather [hbm4b:s8+s13], $0x10, s16, s13, $0xb8;
	[tilespmem:$0x14400] =	vst v63  }
0x100: {  	_ = 	snop  }
0x101: {  	[tilespmem:s23], [sflag:$0x1] =	stream.indirect.gather [hbm4b:s9+s13], $0x10, s17, s13, $0xb8;
	[tilespmem:$0x14400] =	vst v63  }
0x102: {  	_ = 	snop  }
0x103: {  	[tilespmem:s24], [sflag:$0x1] =	stream.indirect.gather [hbm4b:s11+s13], $0x40, s16, s13, $0xb8;
	[tilespmem:$0x14400] =	vst v63  }
0x104: {  	_ = 	snop  }
0x105: {  	[tilespmem:s25], [sflag:$0x1] =	stream.indirect.gather [hbm4b:s12+s13], $0x40, s17, s13, $0xb8;
	[tilespmem:$0x14400] =	vst v63  }
0x106: {  	_ = 	snop  }
0x107: {  	[tilespmem:s28], [sflag:$0x1] =	stream.indirect.gather [hbm4b:s8+s13], $0x10, s21, s13, $0xb8;
	[tilespmem:$0x14400] =	vst v63  }
0x108: {  	_ = 	snop  }
0x109: {  	[tilespmem:s29], [sflag:$0x1] =	stream.indirect.gather [hbm4b:s9+s13], $0x10, s26, s13, $0xb8;
	[tilespmem:$0x14400] =	vst v63  }
0x10a: {  	_ = 	snop  }
0x10b: {  	[tilespmem:s30], [sflag:$0x1] =	stream.indirect.gather [hbm4b:s11+s13], $0x40, s21, s13, $0xb8;
	[tilespmem:$0x14400] =	vst v63  }
0x10c: {  	_ = 	snop  }
0x10d: {  	[tilespmem:s31], [sflag:$0x1] =	stream.indirect.gather [hbm4b:s12+s13], $0x40, s26, s13, $0xb8;
	[tilespmem:$0x14400] =	vst v63  }
0x10e: {  	_ =	swait.ge [sflag:s10], $0x800  }
0x10f: {  	[sflag:s10] =	ssyncset.done $0x0  }
0x110: {  	[sflag:s10] =	ssyncadd.s32 $0xFFFFF800  }
0x111: {  	_ =	swait.ge [sflag:s10], $0x800  }
0x112: {  	[sflag:s10] =	ssyncset.done $0x0  }
0x113: {  	[sflag:s10] =	ssyncadd.s32 $0xFFFFF800  }
0x114: {  	_ =	swait.ge [sflag:s10], $0x2000  }
0x115: {  	[sflag:s10] =	ssyncset.done $0x0  }
0x116: {  	[sflag:s10] =	ssyncadd.s32 $0xFFFFE000  }
0x117: {  	_ =	swait.ge [sflag:s10], $0x2000  }
0x118: {  	[sflag:s10] =	ssyncset.done $0x0  }
0x119: {  	[sflag:s10] =	ssyncadd.s32 $0xFFFFE000  }
0x11a: {  	_ =	swait.ge [sflag:s10], $0x800  }
0x11b: {  	[sflag:s10] =	ssyncset.done $0x0  }
0x11c: {  	[sflag:s10] =	ssyncadd.s32 $0xFFFFF800  }
0x11d: {  	_ =	swait.ge [sflag:s10], $0x800  }
0x11e: {  	[sflag:s10] =	ssyncset.done $0x0  }
0x11f: {  	[sflag:s10] =	ssyncadd.s32 $0xFFFFF800  }
0x120: {  	_ =	swait.ge [sflag:s10], $0x2000  }
0x121: {  	[sflag:s10] =	ssyncset.done $0x0  }
0x122: {  	[sflag:s10] =	ssyncadd.s32 $0xFFFFE000  }
0x123: {  	_ =	swait.ge [sflag:s10], $0x2000  }
0x124: {  	[sflag:s10] =	ssyncset.done $0x0  }
0x125: {  	[sflag:s10] =	ssyncadd.s32 $0xFFFFE000  }
0x126: {  	_ =	swait.ge [sflag:s10], $0x800  }
0x127: {  	[sflag:s10] =	ssyncset.done $0x0  }
0x128: {  	[sflag:s10] =	ssyncadd.s32 $0xFFFFF800  }
0x129: {  	_ =	swait.ge [sflag:s10], $0x800  }
0x12a: {  	[sflag:s10] =	ssyncset.done $0x0  }
0x12b: {  	[sflag:s10] =	ssyncadd.s32 $0xFFFFF800  }
0x12c: {  	_ =	swait.ge [sflag:s10], $0x2000  }
0x12d: {  	[sflag:s10] =	ssyncset.done $0x0  }
0x12e: {  	[sflag:s10] =	ssyncadd.s32 $0xFFFFE000  }
0x12f: {  	_ =	swait.ge [sflag:s10], $0x2000  }
0x130: {  	[sflag:s10] =	ssyncset.done $0x0  }
0x131: {  	[sflag:s10] =	ssyncadd.s32 $0xFFFFE000  }
0x132: {  	_ =	swait.ge [sflag:s10], $0x800  }
0x133: {  	[sflag:s10] =	ssyncset.done $0x0  }
0x134: {  	[sflag:s10] =	ssyncadd.s32 $0xFFFFF800  }
0x135: {  	_ =	swait.ge [sflag:s10], $0x800  }
0x136: {  	[sflag:s10] =	ssyncset.done $0x0  }
0x137: {  	[sflag:s10] =	ssyncadd.s32 $0xFFFFF800  }
0x138: {  	_ =	swait.ge [sflag:s10], $0x2000  }
0x139: {  	[sflag:s10] =	ssyncset.done $0x0  }
0x13a: {  	[sflag:s10] =	ssyncadd.s32 $0xFFFFE000  }
0x13b: {  	_ =	swait.ge [sflag:s10], $0x2000  }
0x13c: {  	[sflag:s10] =	ssyncset.done $0x0  }
0x13d: {  	s26 =	rddreg [dreg:$0x5];
	[sflag:s10] =	ssyncadd.s32 $0xFFFFE000  }
0x13e: {  	[hbm4b:s26+s2] =	stream.linear.scatter [tilespmem:s7], [sflag:$0x2], $0x2000, $0x38;
	[tilespmem:$0x14400] =	vst v63  }
0x13f: {  	_ =	swait.ge [sflag:s3], $0x2000  }
0x140: {  	[sflag:s3] =	ssyncset.done $0x0  }
0x141: {  	s28 =	rddreg [dreg:$0x6];
	[sflag:s3] =	ssyncadd.s32 $0xFFFFE000  }
0x142: {  	[hbm4b:s28+s2] =	stream.linear.scatter [tilespmem:s6], [sflag:$0x2], $0x2000, $0x38;
	[tilespmem:$0x14400] =	vst v63  }
0x143: {  	_ =	swait.ge [sflag:s3], $0x2000  }
0x144: {  	[sflag:s3] =	ssyncset.done $0x0  }
0x145: {  	s29 =	rddreg [dreg:$0x7];
	[sflag:s3] =	ssyncadd.s32 $0xFFFFE000  }
0x146: {  	[hbm4b:s29+s2] =	stream.linear.scatter [tilespmem:s5], [sflag:$0x2], $0x8000, $0x38;
	[tilespmem:$0x14400] =	vst v63  }
0x147: {  	_ =	swait.ge [sflag:s3], $0x8000  }
0x148: {  	[sflag:s3] =	ssyncset.done $0x0  }
0x149: {  	s30 =	rddreg [dreg:$0x8];
	[sflag:s3] =	ssyncadd.s32 $0xFFFF8000  }
0x14a: {  	[hbm4b:s30+s2] =	stream.linear.scatter [tilespmem:s4], [sflag:$0x2], $0x8000, $0x38;
	[tilespmem:$0x14400] =	vst v63  }
0x14b: {  	_ =	swait.ge [sflag:s3], $0x8000  }
0x14c: {  	[sflag:s3] =	ssyncset.done $0x0  }
0x14d: {  	[sflag:s3] =	ssyncadd.s32 $0xFFFF8000  }
0x14e: {  	_ =	sfence.sel $0x180000  }
0x14f: {  	[bflag:$0x0] =	sbarrier.arrive $0xFFFF  }
0x150: {  	_ =	strace $0x90000047  }
0x151: {  	s31 =	stileid.u32;
	[bflag:$0x2] =	sbarrier.arrive $0xFFFF  }
0x152: {  	p0 =	sne.s32 s31, $0x0;
	s0 =	rddreg [dreg:$0x2]  }
0x153: {  	s0 =	sadd.s32 @!p0 $0x100000, s0  }
0x154: {  	[sflag:s0] =	ssyncadd.tile.s32 @!p0 $0x1;
	_ =	shalt  }
.Lfunc_end2:
_tile_overlayer_lowered:
.L_overlay_start_2:
0x155: {  	(tag) =	ssettag $0x2  }
0x156: {  	s0 =	rddreg [dreg:$0x0];
	s2 =	stileid.u32  }
0x157: {  	s1 =	rddreg [dreg:$0x1];
	p0 =	sne.s32 s2, $0x0  }
0x158: {  	s3 =	rddreg [dreg:$0x2];
	[bflag:$0x3] =	sbarrier.arrive $0xFFFF;
	s2 =	simm.s32 @!p0 $0x1C02  }
0x159: {  	[timem:s3], [sflag:s2] =	dma.local @!p0 [hbm:s0], s1  }
0x15a: {  	s0 =	simm.s32 @!p0 $0x2  }
0x15b: {  	_ =	swait.ge @!p0 [sflag:s0], s1  }
0x15c: {  	s1 =	ssub.s32 @!p0 $0x0, s1;
	[sflag:s0] =	ssyncset.done @!p0 $0x0  }
0x15d: {  	[sflag:s0] =	ssyncadd.s32 @!p0 s1  }
0x15e: {  	[bflag:$0x3] =	sbarrier.arrive $0xFFFF  }
0x15f: {  	_ =	shalt  }

</sc_bundles>
